<compile_context>
chip_gen: v7x
topology: tpu7x:2x2x1
jax: 0.10.2.dev20260603
libtpu: 0.0.44.dev20260713+nightly
codegen_flags: <defaults>
</compile_context>

<pallas_src>
import functools

import jax
import jax.numpy as jnp
from jax import lax
from jax.experimental import pallas as pl
from jax.experimental.pallas import tpu as pltpu
from jax.experimental.pallas import tpu_sc as plsc

N_NODES = 6400000
N_GRAPHS = 100000
NB = N_NODES // 128
TC_ROWS = 2000
TC_GRID = NB // TC_ROWS
NW = 32
SEG_PER_W = 3200
B_PAD = NW * SEG_PER_W
OFF_PAD = B_PAD + 8
CHUNK = 128
N_CHUNKS = SEG_PER_W // CHUNK


def _tc_body(x_ref, y_ref, z_ref, min_ref,
             gx_ref, gy_ref, gz_ref, p_ref, carry_ref):
    @pl.when(pl.program_id(0) == 0)
    def _init():
        carry_ref[0, 0] = jnp.float32(0.0)

    m = min_ref[...]
    x = x_ref[...]
    y = y_ref[...]
    z = z_ref[...]
    dx = x - m[0, 0]
    dy = y - m[0, 1]
    dz = z - m[0, 2]
    gx_ref[...] = -2.0 * dx
    gy_ref[...] = -2.0 * dy
    gz_ref[...] = -2.0 * dz
    d2 = dx * dx + dy * dy + dz * dz
    li = lax.broadcasted_iota(jnp.int32, (128, 128), 0)
    ci = lax.broadcasted_iota(jnp.int32, (128, 128), 1)
    tu = jnp.where(li <= ci, 1.0, 0.0).astype(jnp.float32)
    w = lax.dot_general(d2, tu, (((1,), (0,)), ((), ())),
                        preferred_element_type=jnp.float32)
    srow = w[:, 127:128]
    rl = lax.broadcasted_iota(jnp.int32, (TC_ROWS, TC_ROWS), 0)
    rc = lax.broadcasted_iota(jnp.int32, (TC_ROWS, TC_ROWS), 1)
    tls = jnp.where(rc < rl, 1.0, 0.0).astype(jnp.float32)
    rp = lax.dot_general(tls, srow, (((1,), (0,)), ((), ())),
                         preferred_element_type=jnp.float32)
    c0 = carry_ref[0, 0]
    p_ref[...] = w + rp + c0
    carry_ref[0, 0] = c0 + jnp.sum(srow)


def _tc_pass(x2, y2, z2, min13):
    blk = pl.BlockSpec((TC_ROWS, 128), lambda i: (i, 0))
    return pl.pallas_call(
        _tc_body,
        grid=(TC_GRID,),
        in_specs=[blk, blk, blk, pl.BlockSpec((1, 3), lambda i: (0, 0))],
        out_specs=[blk, blk, blk, blk],
        out_shape=[
            jax.ShapeDtypeStruct((NB, 128), jnp.float32),
            jax.ShapeDtypeStruct((NB, 128), jnp.float32),
            jax.ShapeDtypeStruct((NB, 128), jnp.float32),
            jax.ShapeDtypeStruct((NB, 128), jnp.float32),
        ],
        scratch_shapes=[pltpu.SMEM((1, 1), jnp.float32)],
        compiler_params=pltpu.CompilerParams(
            dimension_semantics=("arbitrary",)),
    )(x2, y2, z2, min13)


def _sc_body(p_hbm, off_hbm, out_hbm,
             offv, i_e, i_a, m_e, m_a, g_e, g_a, env, sem):
    wid = lax.axis_index("s") * 2 + lax.axis_index("c")
    s0 = wid * SEG_PER_W
    pltpu.sync_copy(off_hbm.at[pl.ds(s0, OFF_PAD - B_PAD + SEG_PER_W)], offv)

    lanes = lax.broadcasted_iota(jnp.int32, (16,), 0)
    zf = jnp.zeros((16,), jnp.float32)
    one = jnp.ones((16,), jnp.float32)

    def index_chunk(k, carry):
        for j in range(CHUNK // 16):
            t = k * CHUNK + j * 16 + lanes
            a = plsc.load_gather(offv, [t])
            b = plsc.load_gather(offv, [t + 1])
            sl = pl.ds(j * 16, 16)
            i_e[k, sl] = jnp.maximum(b - 1, 0)
            i_a[k, sl] = jnp.maximum(a - 1, 0)
            m_e[k, sl] = jnp.where(b > 0, one, zf)
            m_a[k, sl] = jnp.where(a > 0, one, zf)
        pltpu.async_copy(p_hbm.at[i_e.at[k]], g_e.at[k], sem)
        pltpu.async_copy(p_hbm.at[i_a.at[k]], g_a.at[k], sem)
        return carry

    lax.fori_loop(0, N_CHUNKS, index_chunk, 0)

    def drain(k, carry):
        for _ in range(2):
            pltpu.make_async_copy(
                p_hbm.at[pl.ds(0, CHUNK)], g_e.at[k], sem).wait()
        return carry

    lax.fori_loop(0, N_CHUNKS, drain, 0)

    def combine(k, carry):
        for j in range(CHUNK // 16):
            sl = pl.ds(j * 16, 16)
            env[pl.ds(k * CHUNK + j * 16, 16)] = (
                g_e[k, sl] * m_e[k, sl] - g_a[k, sl] * m_a[k, sl])
        return carry

    lax.fori_loop(0, N_CHUNKS, combine, 0)

    pltpu.sync_copy(env, out_hbm.at[pl.ds(s0, SEG_PER_W)])


@functools.cache
def _sc_pass():
    return pl.kernel(
        _sc_body,
        mesh=plsc.VectorSubcoreMesh(core_axis_name="c", subcore_axis_name="s"),
        compiler_params=pltpu.CompilerParams(needs_layout_passes=False),
        out_type=jax.ShapeDtypeStruct((B_PAD,), jnp.float32),
        scratch_types=[
            pltpu.VMEM((OFF_PAD - B_PAD + SEG_PER_W,), jnp.int32),
            pltpu.VMEM((N_CHUNKS, CHUNK), jnp.int32),
            pltpu.VMEM((N_CHUNKS, CHUNK), jnp.int32),
            pltpu.VMEM((N_CHUNKS, CHUNK), jnp.float32),
            pltpu.VMEM((N_CHUNKS, CHUNK), jnp.float32),
            pltpu.VMEM((N_CHUNKS, CHUNK), jnp.float32),
            pltpu.VMEM((N_CHUNKS, CHUNK), jnp.float32),
            pltpu.VMEM((SEG_PER_W,), jnp.float32),
            pltpu.SemaphoreType.DMA,
        ],
    )


def kernel(positions, n_node, minimum):
    x2 = positions[:, 0].reshape(NB, 128)
    y2 = positions[:, 1].reshape(NB, 128)
    z2 = positions[:, 2].reshape(NB, 128)
    gx, gy, gz, p2 = _tc_pass(x2, y2, z2, minimum.reshape(1, 3))

    off_raw = jnp.cumsum(n_node, dtype=jnp.int32)
    off = jnp.minimum(jnp.concatenate(
        [jnp.zeros((1,), jnp.int32), off_raw]), N_NODES)
    off = off.at[N_GRAPHS].set(N_NODES)
    off_pad = jnp.concatenate(
        [off, jnp.full((OFF_PAD - (N_GRAPHS + 1),), N_NODES, jnp.int32)])

    energies_pad = _sc_pass()(p2.reshape(N_NODES), off_pad)
    energies = energies_pad[:N_GRAPHS]

    neg_grad = jnp.stack(
        [gx.reshape(N_NODES), gy.reshape(N_NODES), gz.reshape(N_NODES)],
        axis=1)
    stress = jnp.zeros((6,), positions.dtype)
    return (energies, neg_grad, stress)

# --- scband reference (transcript-rebuilt; emitter-appended) ---
"""Pipeline reference for scband-euclidean-norm-model-86088324481687 (READ-ONLY COPY).

The authoritative reference and input builder live on the scoring server;
editing this copy changes nothing except your own understanding.
"""

import jax, jax.numpy as jnp
import numpy as np

N = 6400000
B = 100000


def setup_inputs(seed: int = 0) -> dict:
    key = jax.random.key(seed)
    k1, k2 = jax.random.split(key)
    positions = jax.random.normal(k1, (N, 3), dtype=jnp.float32)
    n_node = jax.random.randint(k2, (B,), 0, 128, dtype=jnp.int32)
    minimum = jnp.array([-0.5, -2.0, -1.0], dtype=jnp.float32)
    return {"positions": positions, "n_node": n_node, "minimum": minimum}


def reference(positions, n_node, minimum):
    n = positions.shape[0]
    b = n_node.shape[0]
    # torch.norm(positions - minimum, dim=1) ** 2 == sum of squares along dim 1
    diff = positions - minimum
    sqnorm = jnp.sum(diff * diff, axis=1)
    # segment_ops.aggregate_nodes(sqnorm, n_node, reduction='sum'):
    # expand per-graph node counts into segment ids, then segment-sum
    seg_ids = jnp.repeat(jnp.arange(b, dtype=jnp.int32), n_node, total_repeat_length=n)
    energies = jax.ops.segment_sum(sqnorm, seg_ids, num_segments=b)
    neg_grad = 2.0 * (minimum - positions)
    stress = jnp.zeros((6,), dtype=positions.dtype)
    return (energies, neg_grad, stress)

if __name__ == "__main__":
    import jax
    _d = setup_inputs()
    print(jax.jit(kernel)(*tuple(_d.values())))

</pallas_src>

<mosaic_0001>
#map = affine_map<(d0, d1) -> (0)>
module attributes {stable_mosaic.version = 14 : i64} {
  func.func @_sc_body(%arg0: i32, %arg1: i32, %arg2: memref<6400000xf32, #tpu.memory_space<hbm>>, %arg3: memref<102408xi32, #tpu.memory_space<hbm>>, %arg4: memref<102400xf32, #tpu.memory_space<hbm>>, %arg5: memref<3208xi32, #tpu.memory_space<vmem>>, %arg6: memref<25x128xi32, #tpu.memory_space<vmem>>, %arg7: memref<25x128xi32, #tpu.memory_space<vmem>>, %arg8: memref<25x128xf32, #tpu.memory_space<vmem>>, %arg9: memref<25x128xf32, #tpu.memory_space<vmem>>, %arg10: memref<25x128xf32, #tpu.memory_space<vmem>>, %arg11: memref<25x128xf32, #tpu.memory_space<vmem>>, %arg12: memref<3200xf32, #tpu.memory_space<vmem>>, %arg13: memref<!tpu.dma_semaphore, #tpu.memory_space<semaphore_mem>>) attributes {dimension_semantics = [#tpu.dimension_semantics<core_parallel>, #tpu.dimension_semantics<subcore_parallel>], iteration_bounds = array<i64: 2, 16>, scalar_prefetch = 0 : i64, scratch_operands = 9 : i64, tpu.core_type = #tpu.core_type<sc_vector_subcore>, window_params = [{transform_indices = #map}, {transform_indices = #map}, {transform_indices = #map}]} {
    %mul3A = arith.constant 2 : i32
    %mul3A_0 = arith.muli %arg1, %mul3A : i32
    %add3A = arith.addi %mul3A_0, %arg0 : i32
    %mul3A_1 = arith.constant 3200 : i32
    %mul3A_2 = arith.muli %add3A, %mul3A_1 : i32
    "tpu.region"() ({
      %run_scoped3A = tpu.sem_alloc : memref<!tpu.dma_semaphore, #tpu.memory_space<semaphore_mem>>
      %dma_start3A = tpu.memref_slice %arg3[%mul3A_2] : memref<102408xi32, #tpu.memory_space<hbm>> -> memref<3208xi32, #tpu.memory_space<hbm>>
      %dma_start3A_23 = tpu.memref_slice %arg3[%mul3A_2] : memref<102408xi32, #tpu.memory_space<hbm>> -> memref<3208xi32, #tpu.memory_space<hbm>>
      tpu.enqueue_dma source(%dma_start3A_23 : memref<3208xi32, #tpu.memory_space<hbm>>) target(%arg5 : memref<3208xi32, #tpu.memory_space<vmem>>) target_semaphore(%run_scoped3A : memref<!tpu.dma_semaphore, #tpu.memory_space<semaphore_mem>>)
      %dma_wait3A = tpu.memref_slice %arg3[%mul3A_2] : memref<102408xi32, #tpu.memory_space<hbm>> -> memref<3208xi32, #tpu.memory_space<hbm>>
      %dma_wait3A_24 = tpu.memref_slice %arg3[%mul3A_2] : memref<102408xi32, #tpu.memory_space<hbm>> -> memref<3208xi32, #tpu.memory_space<hbm>>
      tpu.wait_dma2 semaphore(%run_scoped3A : memref<!tpu.dma_semaphore, #tpu.memory_space<semaphore_mem>>) src(%dma_wait3A_24 : memref<3208xi32, #tpu.memory_space<hbm>>) dst(%arg5 : memref<3208xi32, #tpu.memory_space<vmem>>)
      tpu.yield
    }) : () -> ()
    %iota3A = tpu.iota {dimensions = array<i32: 0>} : vector<16xi32>
    %broadcast_in_dim3A = arith.constant 0.000000e+00 : f32
    %broadcast_in_dim3A_3 = vector.broadcast %broadcast_in_dim3A : f32 to vector<16xf32>
    %broadcast_in_dim3A_4 = arith.constant 1.000000e+00 : f32
    %broadcast_in_dim3A_5 = vector.broadcast %broadcast_in_dim3A_4 : f32 to vector<16xf32>
    %scan3A = arith.constant 0 : i32
    %scan3A_6 = arith.constant 0 : i32
    %scan3A_7 = arith.constant 25 : i32
    %scan3A_8 = arith.addi %scan3A_6, %scan3A_7 : i32
    %scan3A_9 = arith.constant 1 : i32
    scf.for %scan3A_23 = %scan3A_6 to %scan3A_8 step %scan3A_9  : i32 {
      %mul3A_24 = arith.constant 128 : i32
      %mul3A_25 = arith.muli %scan3A_23, %mul3A_24 : i32
      %add3A_26 = arith.constant 0 : i32
      %add3A_27 = arith.addi %mul3A_25, %add3A_26 : i32
      %add3A_28 = vector.broadcast %add3A_27 : i32 to vector<16xi32>
      %add3A_29 = arith.addi %add3A_28, %iota3A : vector<16xi32>
      %gather3A = tpu.vector_load_idx %arg5[%add3A_29] : memref<3208xi32, #tpu.memory_space<vmem>>[vector<16xi32>], vector<16xi32>,
      %add3A_30 = arith.constant 1 : i32
      %add3A_31 = vector.broadcast %add3A_30 : i32 to vector<16xi32>
      %add3A_32 = arith.addi %add3A_29, %add3A_31 : vector<16xi32>
      %gather3A_33 = tpu.vector_load_idx %arg5[%add3A_32] : memref<3208xi32, #tpu.memory_space<vmem>>[vector<16xi32>], vector<16xi32>,
      %sub3A = arith.constant 1 : i32
      %sub3A_34 = vector.broadcast %sub3A : i32 to vector<16xi32>
      %sub3A_35 = arith.subi %gather3A_33, %sub3A_34 : vector<16xi32>
      %max3A = arith.constant 0 : i32
      %max3A_36 = vector.broadcast %max3A : i32 to vector<16xi32>
      %max3A_37 = arith.maxsi %sub3A_35, %max3A_36 : vector<16xi32>
      %swap3A = arith.index_cast %scan3A_23 : i32 to index
      %swap3A_38 = arith.constant 0 : index
      %swap3A_39 = tpu.vector_load %arg6[%swap3A, %swap3A_38] {strides = array<i32>} : memref<25x128xi32, #tpu.memory_space<vmem>>, vector<16xi32>,
      tpu.vector_store %arg6[%swap3A, %swap3A_38], %max3A_37 {strides = array<i32>} : memref<25x128xi32, #tpu.memory_space<vmem>>, vector<16xi32>,
      %sub3A_40 = arith.constant 1 : i32
      %sub3A_41 = vector.broadcast %sub3A_40 : i32 to vector<16xi32>
      %sub3A_42 = arith.subi %gather3A, %sub3A_41 : vector<16xi32>
      %max3A_43 = arith.constant 0 : i32
      %max3A_44 = vector.broadcast %max3A_43 : i32 to vector<16xi32>
      %max3A_45 = arith.maxsi %sub3A_42, %max3A_44 : vector<16xi32>
      %swap3A_46 = arith.index_cast %scan3A_23 : i32 to index
      %swap3A_47 = arith.constant 0 : index
      %swap3A_48 = tpu.vector_load %arg7[%swap3A_46, %swap3A_47] {strides = array<i32>} : memref<25x128xi32, #tpu.memory_space<vmem>>, vector<16xi32>,
      tpu.vector_store %arg7[%swap3A_46, %swap3A_47], %max3A_45 {strides = array<i32>} : memref<25x128xi32, #tpu.memory_space<vmem>>, vector<16xi32>,
      %gt3A = arith.constant 0 : i32
      %gt3A_49 = vector.broadcast %gt3A : i32 to vector<16xi32>
      %gt3A_50 = arith.cmpi sgt, %gather3A_33, %gt3A_49 : vector<16xi32>
      %select_n3A = arith.select %gt3A_50, %broadcast_in_dim3A_5, %broadcast_in_dim3A_3 : vector<16xi1>, vector<16xf32>
      %swap3A_51 = arith.index_cast %scan3A_23 : i32 to index
      %swap3A_52 = arith.constant 0 : index
      %swap3A_53 = tpu.vector_load %arg8[%swap3A_51, %swap3A_52] {strides = array<i32>} : memref<25x128xf32, #tpu.memory_space<vmem>>, vector<16xf32>,
      tpu.vector_store %arg8[%swap3A_51, %swap3A_52], %select_n3A {strides = array<i32>} : memref<25x128xf32, #tpu.memory_space<vmem>>, vector<16xf32>,
      %gt3A_54 = arith.constant 0 : i32
      %gt3A_55 = vector.broadcast %gt3A_54 : i32 to vector<16xi32>
      %gt3A_56 = arith.cmpi sgt, %gather3A, %gt3A_55 : vector<16xi32>
      %select_n3A_57 = arith.select %gt3A_56, %broadcast_in_dim3A_5, %broadcast_in_dim3A_3 : vector<16xi1>, vector<16xf32>
      %swap3A_58 = arith.index_cast %scan3A_23 : i32 to index
      %swap3A_59 = arith.constant 0 : index
      %swap3A_60 = tpu.vector_load %arg9[%swap3A_58, %swap3A_59] {strides = array<i32>} : memref<25x128xf32, #tpu.memory_space<vmem>>, vector<16xf32>,
      tpu.vector_store %arg9[%swap3A_58, %swap3A_59], %select_n3A_57 {strides = array<i32>} : memref<25x128xf32, #tpu.memory_space<vmem>>, vector<16xf32>,
      %mul3A_61 = arith.constant 128 : i32
      %mul3A_62 = arith.muli %scan3A_23, %mul3A_61 : i32
      %add3A_63 = arith.constant 16 : i32
      %add3A_64 = arith.addi %mul3A_62, %add3A_63 : i32
      %add3A_65 = vector.broadcast %add3A_64 : i32 to vector<16xi32>
      %add3A_66 = arith.addi %add3A_65, %iota3A : vector<16xi32>
      %gather3A_67 = tpu.vector_load_idx %arg5[%add3A_66] : memref<3208xi32, #tpu.memory_space<vmem>>[vector<16xi32>], vector<16xi32>,
      %add3A_68 = arith.constant 1 : i32
      %add3A_69 = vector.broadcast %add3A_68 : i32 to vector<16xi32>
      %add3A_70 = arith.addi %add3A_66, %add3A_69 : vector<16xi32>
      %gather3A_71 = tpu.vector_load_idx %arg5[%add3A_70] : memref<3208xi32, #tpu.memory_space<vmem>>[vector<16xi32>], vector<16xi32>,
      %sub3A_72 = arith.constant 1 : i32
      %sub3A_73 = vector.broadcast %sub3A_72 : i32 to vector<16xi32>
      %sub3A_74 = arith.subi %gather3A_71, %sub3A_73 : vector<16xi32>
      %max3A_75 = arith.constant 0 : i32
      %max3A_76 = vector.broadcast %max3A_75 : i32 to vector<16xi32>
      %max3A_77 = arith.maxsi %sub3A_74, %max3A_76 : vector<16xi32>
      %swap3A_78 = arith.index_cast %scan3A_23 : i32 to index
      %swap3A_79 = arith.constant 16 : index
      %swap3A_80 = tpu.vector_load %arg6[%swap3A_78, %swap3A_79] {strides = array<i32>} : memref<25x128xi32, #tpu.memory_space<vmem>>, vector<16xi32>,
      tpu.vector_store %arg6[%swap3A_78, %swap3A_79], %max3A_77 {strides = array<i32>} : memref<25x128xi32, #tpu.memory_space<vmem>>, vector<16xi32>,
      %sub3A_81 = arith.constant 1 : i32
      %sub3A_82 = vector.broadcast %sub3A_81 : i32 to vector<16xi32>
      %sub3A_83 = arith.subi %gather3A_67, %sub3A_82 : vector<16xi32>
      %max3A_84 = arith.constant 0 : i32
      %max3A_85 = vector.broadcast %max3A_84 : i32 to vector<16xi32>
      %max3A_86 = arith.maxsi %sub3A_83, %max3A_85 : vector<16xi32>
      %swap3A_87 = arith.index_cast %scan3A_23 : i32 to index
      %swap3A_88 = arith.constant 16 : index
      %swap3A_89 = tpu.vector_load %arg7[%swap3A_87, %swap3A_88] {strides = array<i32>} : memref<25x128xi32, #tpu.memory_space<vmem>>, vector<16xi32>,
      tpu.vector_store %arg7[%swap3A_87, %swap3A_88], %max3A_86 {strides = array<i32>} : memref<25x128xi32, #tpu.memory_space<vmem>>, vector<16xi32>,
      %gt3A_90 = arith.constant 0 : i32
      %gt3A_91 = vector.broadcast %gt3A_90 : i32 to vector<16xi32>
      %gt3A_92 = arith.cmpi sgt, %gather3A_71, %gt3A_91 : vector<16xi32>
      %select_n3A_93 = arith.select %gt3A_92, %broadcast_in_dim3A_5, %broadcast_in_dim3A_3 : vector<16xi1>, vector<16xf32>
      %swap3A_94 = arith.index_cast %scan3A_23 : i32 to index
      %swap3A_95 = arith.constant 16 : index
      %swap3A_96 = tpu.vector_load %arg8[%swap3A_94, %swap3A_95] {strides = array<i32>} : memref<25x128xf32, #tpu.memory_space<vmem>>, vector<16xf32>,
      tpu.vector_store %arg8[%swap3A_94, %swap3A_95], %select_n3A_93 {strides = array<i32>} : memref<25x128xf32, #tpu.memory_space<vmem>>, vector<16xf32>,
      %gt3A_97 = arith.constant 0 : i32
      %gt3A_98 = vector.broadcast %gt3A_97 : i32 to vector<16xi32>
      %gt3A_99 = arith.cmpi sgt, %gather3A_67, %gt3A_98 : vector<16xi32>
      %select_n3A_100 = arith.select %gt3A_99, %broadcast_in_dim3A_5, %broadcast_in_dim3A_3 : vector<16xi1>, vector<16xf32>
      %swap3A_101 = arith.index_cast %scan3A_23 : i32 to index
      %swap3A_102 = arith.constant 16 : index
      %swap3A_103 = tpu.vector_load %arg9[%swap3A_101, %swap3A_102] {strides = array<i32>} : memref<25x128xf32, #tpu.memory_space<vmem>>, vector<16xf32>,
      tpu.vector_store %arg9[%swap3A_101, %swap3A_102], %select_n3A_100 {strides = array<i32>} : memref<25x128xf32, #tpu.memory_space<vmem>>, vector<16xf32>,
      %mul3A_104 = arith.constant 128 : i32
      %mul3A_105 = arith.muli %scan3A_23, %mul3A_104 : i32
      %add3A_106 = arith.constant 32 : i32
      %add3A_107 = arith.addi %mul3A_105, %add3A_106 : i32
      %add3A_108 = vector.broadcast %add3A_107 : i32 to vector<16xi32>
      %add3A_109 = arith.addi %add3A_108, %iota3A : vector<16xi32>
      %gather3A_110 = tpu.vector_load_idx %arg5[%add3A_109] : memref<3208xi32, #tpu.memory_space<vmem>>[vector<16xi32>], vector<16xi32>,
      %add3A_111 = arith.constant 1 : i32
      %add3A_112 = vector.broadcast %add3A_111 : i32 to vector<16xi32>
      %add3A_113 = arith.addi %add3A_109, %add3A_112 : vector<16xi32>
      %gather3A_114 = tpu.vector_load_idx %arg5[%add3A_113] : memref<3208xi32, #tpu.memory_space<vmem>>[vector<16xi32>], vector<16xi32>,
      %sub3A_115 = arith.constant 1 : i32
      %sub3A_116 = vector.broadcast %sub3A_115 : i32 to vector<16xi32>
      %sub3A_117 = arith.subi %gather3A_114, %sub3A_116 : vector<16xi32>
      %max3A_118 = arith.constant 0 : i32
      %max3A_119 = vector.broadcast %max3A_118 : i32 to vector<16xi32>
      %max3A_120 = arith.maxsi %sub3A_117, %max3A_119 : vector<16xi32>
      %swap3A_121 = arith.index_cast %scan3A_23 : i32 to index
      %swap3A_122 = arith.constant 32 : index
      %swap3A_123 = tpu.vector_load %arg6[%swap3A_121, %swap3A_122] {strides = array<i32>} : memref<25x128xi32, #tpu.memory_space<vmem>>, vector<16xi32>,
      tpu.vector_store %arg6[%swap3A_121, %swap3A_122], %max3A_120 {strides = array<i32>} : memref<25x128xi32, #tpu.memory_space<vmem>>, vector<16xi32>,
      %sub3A_124 = arith.constant 1 : i32
      %sub3A_125 = vector.broadcast %sub3A_124 : i32 to vector<16xi32>
      %sub3A_126 = arith.subi %gather3A_110, %sub3A_125 : vector<16xi32>
      %max3A_127 = arith.constant 0 : i32
      %max3A_128 = vector.broadcast %max3A_127 : i32 to vector<16xi32>
      %max3A_129 = arith.maxsi %sub3A_126, %max3A_128 : vector<16xi32>
      %swap3A_130 = arith.index_cast %scan3A_23 : i32 to index
      %swap3A_131 = arith.constant 32 : index
      %swap3A_132 = tpu.vector_load %arg7[%swap3A_130, %swap3A_131] {strides = array<i32>} : memref<25x128xi32, #tpu.memory_space<vmem>>, vector<16xi32>,
      tpu.vector_store %arg7[%swap3A_130, %swap3A_131], %max3A_129 {strides = array<i32>} : memref<25x128xi32, #tpu.memory_space<vmem>>, vector<16xi32>,
      %gt3A_133 = arith.constant 0 : i32
      %gt3A_134 = vector.broadcast %gt3A_133 : i32 to vector<16xi32>
      %gt3A_135 = arith.cmpi sgt, %gather3A_114, %gt3A_134 : vector<16xi32>
      %select_n3A_136 = arith.select %gt3A_135, %broadcast_in_dim3A_5, %broadcast_in_dim3A_3 : vector<16xi1>, vector<16xf32>
      %swap3A_137 = arith.index_cast %scan3A_23 : i32 to index
      %swap3A_138 = arith.constant 32 : index
      %swap3A_139 = tpu.vector_load %arg8[%swap3A_137, %swap3A_138] {strides = array<i32>} : memref<25x128xf32, #tpu.memory_space<vmem>>, vector<16xf32>,
      tpu.vector_store %arg8[%swap3A_137, %swap3A_138], %select_n3A_136 {strides = array<i32>} : memref<25x128xf32, #tpu.memory_space<vmem>>, vector<16xf32>,
      %gt3A_140 = arith.constant 0 : i32
      %gt3A_141 = vector.broadcast %gt3A_140 : i32 to vector<16xi32>
      %gt3A_142 = arith.cmpi sgt, %gather3A_110, %gt3A_141 : vector<16xi32>
      %select_n3A_143 = arith.select %gt3A_142, %broadcast_in_dim3A_5, %broadcast_in_dim3A_3 : vector<16xi1>, vector<16xf32>
      %swap3A_144 = arith.index_cast %scan3A_23 : i32 to index
      %swap3A_145 = arith.constant 32 : index
      %swap3A_146 = tpu.vector_load %arg9[%swap3A_144, %swap3A_145] {strides = array<i32>} : memref<25x128xf32, #tpu.memory_space<vmem>>, vector<16xf32>,
      tpu.vector_store %arg9[%swap3A_144, %swap3A_145], %select_n3A_143 {strides = array<i32>} : memref<25x128xf32, #tpu.memory_space<vmem>>, vector<16xf32>,
      %mul3A_147 = arith.constant 128 : i32
      %mul3A_148 = arith.muli %scan3A_23, %mul3A_147 : i32
      %add3A_149 = arith.constant 48 : i32
      %add3A_150 = arith.addi %mul3A_148, %add3A_149 : i32
      %add3A_151 = vector.broadcast %add3A_150 : i32 to vector<16xi32>
      %add3A_152 = arith.addi %add3A_151, %iota3A : vector<16xi32>
      %gather3A_153 = tpu.vector_load_idx %arg5[%add3A_152] : memref<3208xi32, #tpu.memory_space<vmem>>[vector<16xi32>], vector<16xi32>,
      %add3A_154 = arith.constant 1 : i32
      %add3A_155 = vector.broadcast %add3A_154 : i32 to vector<16xi32>
      %add3A_156 = arith.addi %add3A_152, %add3A_155 : vector<16xi32>
      %gather3A_157 = tpu.vector_load_idx %arg5[%add3A_156] : memref<3208xi32, #tpu.memory_space<vmem>>[vector<16xi32>], vector<16xi32>,
      %sub3A_158 = arith.constant 1 : i32
      %sub3A_159 = vector.broadcast %sub3A_158 : i32 to vector<16xi32>
      %sub3A_160 = arith.subi %gather3A_157, %sub3A_159 : vector<16xi32>
      %max3A_161 = arith.constant 0 : i32
      %max3A_162 = vector.broadcast %max3A_161 : i32 to vector<16xi32>
      %max3A_163 = arith.maxsi %sub3A_160, %max3A_162 : vector<16xi32>
      %swap3A_164 = arith.index_cast %scan3A_23 : i32 to index
      %swap3A_165 = arith.constant 48 : index
      %swap3A_166 = tpu.vector_load %arg6[%swap3A_164, %swap3A_165] {strides = array<i32>} : memref<25x128xi32, #tpu.memory_space<vmem>>, vector<16xi32>,
      tpu.vector_store %arg6[%swap3A_164, %swap3A_165], %max3A_163 {strides = array<i32>} : memref<25x128xi32, #tpu.memory_space<vmem>>, vector<16xi32>,
      %sub3A_167 = arith.constant 1 : i32
      %sub3A_168 = vector.broadcast %sub3A_167 : i32 to vector<16xi32>
      %sub3A_169 = arith.subi %gather3A_153, %sub3A_168 : vector<16xi32>
      %max3A_170 = arith.constant 0 : i32
      %max3A_171 = vector.broadcast %max3A_170 : i32 to vector<16xi32>
      %max3A_172 = arith.maxsi %sub3A_169, %max3A_171 : vector<16xi32>
      %swap3A_173 = arith.index_cast %scan3A_23 : i32 to index
      %swap3A_174 = arith.constant 48 : index
      %swap3A_175 = tpu.vector_load %arg7[%swap3A_173, %swap3A_174] {strides = array<i32>} : memref<25x128xi32, #tpu.memory_space<vmem>>, vector<16xi32>,
      tpu.vector_store %arg7[%swap3A_173, %swap3A_174], %max3A_172 {strides = array<i32>} : memref<25x128xi32, #tpu.memory_space<vmem>>, vector<16xi32>,
      %gt3A_176 = arith.constant 0 : i32
      %gt3A_177 = vector.broadcast %gt3A_176 : i32 to vector<16xi32>
      %gt3A_178 = arith.cmpi sgt, %gather3A_157, %gt3A_177 : vector<16xi32>
      %select_n3A_179 = arith.select %gt3A_178, %broadcast_in_dim3A_5, %broadcast_in_dim3A_3 : vector<16xi1>, vector<16xf32>
      %swap3A_180 = arith.index_cast %scan3A_23 : i32 to index
      %swap3A_181 = arith.constant 48 : index
      %swap3A_182 = tpu.vector_load %arg8[%swap3A_180, %swap3A_181] {strides = array<i32>} : memref<25x128xf32, #tpu.memory_space<vmem>>, vector<16xf32>,
      tpu.vector_store %arg8[%swap3A_180, %swap3A_181], %select_n3A_179 {strides = array<i32>} : memref<25x128xf32, #tpu.memory_space<vmem>>, vector<16xf32>,
      %gt3A_183 = arith.constant 0 : i32
      %gt3A_184 = vector.broadcast %gt3A_183 : i32 to vector<16xi32>
      %gt3A_185 = arith.cmpi sgt, %gather3A_153, %gt3A_184 : vector<16xi32>
      %select_n3A_186 = arith.select %gt3A_185, %broadcast_in_dim3A_5, %broadcast_in_dim3A_3 : vector<16xi1>, vector<16xf32>
      %swap3A_187 = arith.index_cast %scan3A_23 : i32 to index
      %swap3A_188 = arith.constant 48 : index
      %swap3A_189 = tpu.vector_load %arg9[%swap3A_187, %swap3A_188] {strides = array<i32>} : memref<25x128xf32, #tpu.memory_space<vmem>>, vector<16xf32>,
      tpu.vector_store %arg9[%swap3A_187, %swap3A_188], %select_n3A_186 {strides = array<i32>} : memref<25x128xf32, #tpu.memory_space<vmem>>, vector<16xf32>,
      %mul3A_190 = arith.constant 128 : i32
      %mul3A_191 = arith.muli %scan3A_23, %mul3A_190 : i32
      %add3A_192 = arith.constant 64 : i32
      %add3A_193 = arith.addi %mul3A_191, %add3A_192 : i32
      %add3A_194 = vector.broadcast %add3A_193 : i32 to vector<16xi32>
      %add3A_195 = arith.addi %add3A_194, %iota3A : vector<16xi32>
      %gather3A_196 = tpu.vector_load_idx %arg5[%add3A_195] : memref<3208xi32, #tpu.memory_space<vmem>>[vector<16xi32>], vector<16xi32>,
      %add3A_197 = arith.constant 1 : i32
      %add3A_198 = vector.broadcast %add3A_197 : i32 to vector<16xi32>
      %add3A_199 = arith.addi %add3A_195, %add3A_198 : vector<16xi32>
      %gather3A_200 = tpu.vector_load_idx %arg5[%add3A_199] : memref<3208xi32, #tpu.memory_space<vmem>>[vector<16xi32>], vector<16xi32>,
      %sub3A_201 = arith.constant 1 : i32
      %sub3A_202 = vector.broadcast %sub3A_201 : i32 to vector<16xi32>
      %sub3A_203 = arith.subi %gather3A_200, %sub3A_202 : vector<16xi32>
      %max3A_204 = arith.constant 0 : i32
      %max3A_205 = vector.broadcast %max3A_204 : i32 to vector<16xi32>
      %max3A_206 = arith.maxsi %sub3A_203, %max3A_205 : vector<16xi32>
      %swap3A_207 = arith.index_cast %scan3A_23 : i32 to index
      %swap3A_208 = arith.constant 64 : index
      %swap3A_209 = tpu.vector_load %arg6[%swap3A_207, %swap3A_208] {strides = array<i32>} : memref<25x128xi32, #tpu.memory_space<vmem>>, vector<16xi32>,
      tpu.vector_store %arg6[%swap3A_207, %swap3A_208], %max3A_206 {strides = array<i32>} : memref<25x128xi32, #tpu.memory_space<vmem>>, vector<16xi32>,
      %sub3A_210 = arith.constant 1 : i32
      %sub3A_211 = vector.broadcast %sub3A_210 : i32 to vector<16xi32>
      %sub3A_212 = arith.subi %gather3A_196, %sub3A_211 : vector<16xi32>
      %max3A_213 = arith.constant 0 : i32
      %max3A_214 = vector.broadcast %max3A_213 : i32 to vector<16xi32>
      %max3A_215 = arith.maxsi %sub3A_212, %max3A_214 : vector<16xi32>
      %swap3A_216 = arith.index_cast %scan3A_23 : i32 to index
      %swap3A_217 = arith.constant 64 : index
      %swap3A_218 = tpu.vector_load %arg7[%swap3A_216, %swap3A_217] {strides = array<i32>} : memref<25x128xi32, #tpu.memory_space<vmem>>, vector<16xi32>,
      tpu.vector_store %arg7[%swap3A_216, %swap3A_217], %max3A_215 {strides = array<i32>} : memref<25x128xi32, #tpu.memory_space<vmem>>, vector<16xi32>,
      %gt3A_219 = arith.constant 0 : i32
      %gt3A_220 = vector.broadcast %gt3A_219 : i32 to vector<16xi32>
      %gt3A_221 = arith.cmpi sgt, %gather3A_200, %gt3A_220 : vector<16xi32>
      %select_n3A_222 = arith.select %gt3A_221, %broadcast_in_dim3A_5, %broadcast_in_dim3A_3 : vector<16xi1>, vector<16xf32>
      %swap3A_223 = arith.index_cast %scan3A_23 : i32 to index
      %swap3A_224 = arith.constant 64 : index
      %swap3A_225 = tpu.vector_load %arg8[%swap3A_223, %swap3A_224] {strides = array<i32>} : memref<25x128xf32, #tpu.memory_space<vmem>>, vector<16xf32>,
      tpu.vector_store %arg8[%swap3A_223, %swap3A_224], %select_n3A_222 {strides = array<i32>} : memref<25x128xf32, #tpu.memory_space<vmem>>, vector<16xf32>,
      %gt3A_226 = arith.constant 0 : i32
      %gt3A_227 = vector.broadcast %gt3A_226 : i32 to vector<16xi32>
      %gt3A_228 = arith.cmpi sgt, %gather3A_196, %gt3A_227 : vector<16xi32>
      %select_n3A_229 = arith.select %gt3A_228, %broadcast_in_dim3A_5, %broadcast_in_dim3A_3 : vector<16xi1>, vector<16xf32>
      %swap3A_230 = arith.index_cast %scan3A_23 : i32 to index
      %swap3A_231 = arith.constant 64 : index
      %swap3A_232 = tpu.vector_load %arg9[%swap3A_230, %swap3A_231] {strides = array<i32>} : memref<25x128xf32, #tpu.memory_space<vmem>>, vector<16xf32>,
      tpu.vector_store %arg9[%swap3A_230, %swap3A_231], %select_n3A_229 {strides = array<i32>} : memref<25x128xf32, #tpu.memory_space<vmem>>, vector<16xf32>,
      %mul3A_233 = arith.constant 128 : i32
      %mul3A_234 = arith.muli %scan3A_23, %mul3A_233 : i32
      %add3A_235 = arith.constant 80 : i32
      %add3A_236 = arith.addi %mul3A_234, %add3A_235 : i32
      %add3A_237 = vector.broadcast %add3A_236 : i32 to vector<16xi32>
      %add3A_238 = arith.addi %add3A_237, %iota3A : vector<16xi32>
      %gather3A_239 = tpu.vector_load_idx %arg5[%add3A_238] : memref<3208xi32, #tpu.memory_space<vmem>>[vector<16xi32>], vector<16xi32>,
      %add3A_240 = arith.constant 1 : i32
      %add3A_241 = vector.broadcast %add3A_240 : i32 to vector<16xi32>
      %add3A_242 = arith.addi %add3A_238, %add3A_241 : vector<16xi32>
      %gather3A_243 = tpu.vector_load_idx %arg5[%add3A_242] : memref<3208xi32, #tpu.memory_space<vmem>>[vector<16xi32>], vector<16xi32>,
      %sub3A_244 = arith.constant 1 : i32
      %sub3A_245 = vector.broadcast %sub3A_244 : i32 to vector<16xi32>
      %sub3A_246 = arith.subi %gather3A_243, %sub3A_245 : vector<16xi32>
      %max3A_247 = arith.constant 0 : i32
      %max3A_248 = vector.broadcast %max3A_247 : i32 to vector<16xi32>
      %max3A_249 = arith.maxsi %sub3A_246, %max3A_248 : vector<16xi32>
      %swap3A_250 = arith.index_cast %scan3A_23 : i32 to index
      %swap3A_251 = arith.constant 80 : index
      %swap3A_252 = tpu.vector_load %arg6[%swap3A_250, %swap3A_251] {strides = array<i32>} : memref<25x128xi32, #tpu.memory_space<vmem>>, vector<16xi32>,
      tpu.vector_store %arg6[%swap3A_250, %swap3A_251], %max3A_249 {strides = array<i32>} : memref<25x128xi32, #tpu.memory_space<vmem>>, vector<16xi32>,
      %sub3A_253 = arith.constant 1 : i32
      %sub3A_254 = vector.broadcast %sub3A_253 : i32 to vector<16xi32>
      %sub3A_255 = arith.subi %gather3A_239, %sub3A_254 : vector<16xi32>
      %max3A_256 = arith.constant 0 : i32
      %max3A_257 = vector.broadcast %max3A_256 : i32 to vector<16xi32>
      %max3A_258 = arith.maxsi %sub3A_255, %max3A_257 : vector<16xi32>
      %swap3A_259 = arith.index_cast %scan3A_23 : i32 to index
      %swap3A_260 = arith.constant 80 : index
      %swap3A_261 = tpu.vector_load %arg7[%swap3A_259, %swap3A_260] {strides = array<i32>} : memref<25x128xi32, #tpu.memory_space<vmem>>, vector<16xi32>,
      tpu.vector_store %arg7[%swap3A_259, %swap3A_260], %max3A_258 {strides = array<i32>} : memref<25x128xi32, #tpu.memory_space<vmem>>, vector<16xi32>,
      %gt3A_262 = arith.constant 0 : i32
      %gt3A_263 = vector.broadcast %gt3A_262 : i32 to vector<16xi32>
      %gt3A_264 = arith.cmpi sgt, %gather3A_243, %gt3A_263 : vector<16xi32>
      %select_n3A_265 = arith.select %gt3A_264, %broadcast_in_dim3A_5, %broadcast_in_dim3A_3 : vector<16xi1>, vector<16xf32>
      %swap3A_266 = arith.index_cast %scan3A_23 : i32 to index
      %swap3A_267 = arith.constant 80 : index
      %swap3A_268 = tpu.vector_load %arg8[%swap3A_266, %swap3A_267] {strides = array<i32>} : memref<25x128xf32, #tpu.memory_space<vmem>>, vector<16xf32>,
      tpu.vector_store %arg8[%swap3A_266, %swap3A_267], %select_n3A_265 {strides = array<i32>} : memref<25x128xf32, #tpu.memory_space<vmem>>, vector<16xf32>,
      %gt3A_269 = arith.constant 0 : i32
      %gt3A_270 = vector.broadcast %gt3A_269 : i32 to vector<16xi32>
      %gt3A_271 = arith.cmpi sgt, %gather3A_239, %gt3A_270 : vector<16xi32>
      %select_n3A_272 = arith.select %gt3A_271, %broadcast_in_dim3A_5, %broadcast_in_dim3A_3 : vector<16xi1>, vector<16xf32>
      %swap3A_273 = arith.index_cast %scan3A_23 : i32 to index
      %swap3A_274 = arith.constant 80 : index
      %swap3A_275 = tpu.vector_load %arg9[%swap3A_273, %swap3A_274] {strides = array<i32>} : memref<25x128xf32, #tpu.memory_space<vmem>>, vector<16xf32>,
      tpu.vector_store %arg9[%swap3A_273, %swap3A_274], %select_n3A_272 {strides = array<i32>} : memref<25x128xf32, #tpu.memory_space<vmem>>, vector<16xf32>,
      %mul3A_276 = arith.constant 128 : i32
      %mul3A_277 = arith.muli %scan3A_23, %mul3A_276 : i32
      %add3A_278 = arith.constant 96 : i32
      %add3A_279 = arith.addi %mul3A_277, %add3A_278 : i32
      %add3A_280 = vector.broadcast %add3A_279 : i32 to vector<16xi32>
      %add3A_281 = arith.addi %add3A_280, %iota3A : vector<16xi32>
      %gather3A_282 = tpu.vector_load_idx %arg5[%add3A_281] : memref<3208xi32, #tpu.memory_space<vmem>>[vector<16xi32>], vector<16xi32>,
      %add3A_283 = arith.constant 1 : i32
      %add3A_284 = vector.broadcast %add3A_283 : i32 to vector<16xi32>
      %add3A_285 = arith.addi %add3A_281, %add3A_284 : vector<16xi32>
      %gather3A_286 = tpu.vector_load_idx %arg5[%add3A_285] : memref<3208xi32, #tpu.memory_space<vmem>>[vector<16xi32>], vector<16xi32>,
      %sub3A_287 = arith.constant 1 : i32
      %sub3A_288 = vector.broadcast %sub3A_287 : i32 to vector<16xi32>
      %sub3A_289 = arith.subi %gather3A_286, %sub3A_288 : vector<16xi32>
      %max3A_290 = arith.constant 0 : i32
      %max3A_291 = vector.broadcast %max3A_290 : i32 to vector<16xi32>
      %max3A_292 = arith.maxsi %sub3A_289, %max3A_291 : vector<16xi32>
      %swap3A_293 = arith.index_cast %scan3A_23 : i32 to index
      %swap3A_294 = arith.constant 96 : index
      %swap3A_295 = tpu.vector_load %arg6[%swap3A_293, %swap3A_294] {strides = array<i32>} : memref<25x128xi32, #tpu.memory_space<vmem>>, vector<16xi32>,
      tpu.vector_store %arg6[%swap3A_293, %swap3A_294], %max3A_292 {strides = array<i32>} : memref<25x128xi32, #tpu.memory_space<vmem>>, vector<16xi32>,
      %sub3A_296 = arith.constant 1 : i32
      %sub3A_297 = vector.broadcast %sub3A_296 : i32 to vector<16xi32>
      %sub3A_298 = arith.subi %gather3A_282, %sub3A_297 : vector<16xi32>
      %max3A_299 = arith.constant 0 : i32
      %max3A_300 = vector.broadcast %max3A_299 : i32 to vector<16xi32>
      %max3A_301 = arith.maxsi %sub3A_298, %max3A_300 : vector<16xi32>
      %swap3A_302 = arith.index_cast %scan3A_23 : i32 to index
      %swap3A_303 = arith.constant 96 : index
      %swap3A_304 = tpu.vector_load %arg7[%swap3A_302, %swap3A_303] {strides = array<i32>} : memref<25x128xi32, #tpu.memory_space<vmem>>, vector<16xi32>,
      tpu.vector_store %arg7[%swap3A_302, %swap3A_303], %max3A_301 {strides = array<i32>} : memref<25x128xi32, #tpu.memory_space<vmem>>, vector<16xi32>,
      %gt3A_305 = arith.constant 0 : i32
      %gt3A_306 = vector.broadcast %gt3A_305 : i32 to vector<16xi32>
      %gt3A_307 = arith.cmpi sgt, %gather3A_286, %gt3A_306 : vector<16xi32>
      %select_n3A_308 = arith.select %gt3A_307, %broadcast_in_dim3A_5, %broadcast_in_dim3A_3 : vector<16xi1>, vector<16xf32>
      %swap3A_309 = arith.index_cast %scan3A_23 : i32 to index
      %swap3A_310 = arith.constant 96 : index
      %swap3A_311 = tpu.vector_load %arg8[%swap3A_309, %swap3A_310] {strides = array<i32>} : memref<25x128xf32, #tpu.memory_space<vmem>>, vector<16xf32>,
      tpu.vector_store %arg8[%swap3A_309, %swap3A_310], %select_n3A_308 {strides = array<i32>} : memref<25x128xf32, #tpu.memory_space<vmem>>, vector<16xf32>,
      %gt3A_312 = arith.constant 0 : i32
      %gt3A_313 = vector.broadcast %gt3A_312 : i32 to vector<16xi32>
      %gt3A_314 = arith.cmpi sgt, %gather3A_282, %gt3A_313 : vector<16xi32>
      %select_n3A_315 = arith.select %gt3A_314, %broadcast_in_dim3A_5, %broadcast_in_dim3A_3 : vector<16xi1>, vector<16xf32>
      %swap3A_316 = arith.index_cast %scan3A_23 : i32 to index
      %swap3A_317 = arith.constant 96 : index
      %swap3A_318 = tpu.vector_load %arg9[%swap3A_316, %swap3A_317] {strides = array<i32>} : memref<25x128xf32, #tpu.memory_space<vmem>>, vector<16xf32>,
      tpu.vector_store %arg9[%swap3A_316, %swap3A_317], %select_n3A_315 {strides = array<i32>} : memref<25x128xf32, #tpu.memory_space<vmem>>, vector<16xf32>,
      %mul3A_319 = arith.constant 128 : i32
      %mul3A_320 = arith.muli %scan3A_23, %mul3A_319 : i32
      %add3A_321 = arith.constant 112 : i32
      %add3A_322 = arith.addi %mul3A_320, %add3A_321 : i32
      %add3A_323 = vector.broadcast %add3A_322 : i32 to vector<16xi32>
      %add3A_324 = arith.addi %add3A_323, %iota3A : vector<16xi32>
      %gather3A_325 = tpu.vector_load_idx %arg5[%add3A_324] : memref<3208xi32, #tpu.memory_space<vmem>>[vector<16xi32>], vector<16xi32>,
      %add3A_326 = arith.constant 1 : i32
      %add3A_327 = vector.broadcast %add3A_326 : i32 to vector<16xi32>
      %add3A_328 = arith.addi %add3A_324, %add3A_327 : vector<16xi32>
      %gather3A_329 = tpu.vector_load_idx %arg5[%add3A_328] : memref<3208xi32, #tpu.memory_space<vmem>>[vector<16xi32>], vector<16xi32>,
      %sub3A_330 = arith.constant 1 : i32
      %sub3A_331 = vector.broadcast %sub3A_330 : i32 to vector<16xi32>
      %sub3A_332 = arith.subi %gather3A_329, %sub3A_331 : vector<16xi32>
      %max3A_333 = arith.constant 0 : i32
      %max3A_334 = vector.broadcast %max3A_333 : i32 to vector<16xi32>
      %max3A_335 = arith.maxsi %sub3A_332, %max3A_334 : vector<16xi32>
      %swap3A_336 = arith.index_cast %scan3A_23 : i32 to index
      %swap3A_337 = arith.constant 112 : index
      %swap3A_338 = tpu.vector_load %arg6[%swap3A_336, %swap3A_337] {strides = array<i32>} : memref<25x128xi32, #tpu.memory_space<vmem>>, vector<16xi32>,
      tpu.vector_store %arg6[%swap3A_336, %swap3A_337], %max3A_335 {strides = array<i32>} : memref<25x128xi32, #tpu.memory_space<vmem>>, vector<16xi32>,
      %sub3A_339 = arith.constant 1 : i32
      %sub3A_340 = vector.broadcast %sub3A_339 : i32 to vector<16xi32>
      %sub3A_341 = arith.subi %gather3A_325, %sub3A_340 : vector<16xi32>
      %max3A_342 = arith.constant 0 : i32
      %max3A_343 = vector.broadcast %max3A_342 : i32 to vector<16xi32>
      %max3A_344 = arith.maxsi %sub3A_341, %max3A_343 : vector<16xi32>
      %swap3A_345 = arith.index_cast %scan3A_23 : i32 to index
      %swap3A_346 = arith.constant 112 : index
      %swap3A_347 = tpu.vector_load %arg7[%swap3A_345, %swap3A_346] {strides = array<i32>} : memref<25x128xi32, #tpu.memory_space<vmem>>, vector<16xi32>,
      tpu.vector_store %arg7[%swap3A_345, %swap3A_346], %max3A_344 {strides = array<i32>} : memref<25x128xi32, #tpu.memory_space<vmem>>, vector<16xi32>,
      %gt3A_348 = arith.constant 0 : i32
      %gt3A_349 = vector.broadcast %gt3A_348 : i32 to vector<16xi32>
      %gt3A_350 = arith.cmpi sgt, %gather3A_329, %gt3A_349 : vector<16xi32>
      %select_n3A_351 = arith.select %gt3A_350, %broadcast_in_dim3A_5, %broadcast_in_dim3A_3 : vector<16xi1>, vector<16xf32>
      %swap3A_352 = arith.index_cast %scan3A_23 : i32 to index
      %swap3A_353 = arith.constant 112 : index
      %swap3A_354 = tpu.vector_load %arg8[%swap3A_352, %swap3A_353] {strides = array<i32>} : memref<25x128xf32, #tpu.memory_space<vmem>>, vector<16xf32>,
      tpu.vector_store %arg8[%swap3A_352, %swap3A_353], %select_n3A_351 {strides = array<i32>} : memref<25x128xf32, #tpu.memory_space<vmem>>, vector<16xf32>,
      %gt3A_355 = arith.constant 0 : i32
      %gt3A_356 = vector.broadcast %gt3A_355 : i32 to vector<16xi32>
      %gt3A_357 = arith.cmpi sgt, %gather3A_325, %gt3A_356 : vector<16xi32>
      %select_n3A_358 = arith.select %gt3A_357, %broadcast_in_dim3A_5, %broadcast_in_dim3A_3 : vector<16xi1>, vector<16xf32>
      %swap3A_359 = arith.index_cast %scan3A_23 : i32 to index
      %swap3A_360 = arith.constant 112 : index
      %swap3A_361 = tpu.vector_load %arg9[%swap3A_359, %swap3A_360] {strides = array<i32>} : memref<25x128xf32, #tpu.memory_space<vmem>>, vector<16xf32>,
      tpu.vector_store %arg9[%swap3A_359, %swap3A_360], %select_n3A_358 {strides = array<i32>} : memref<25x128xf32, #tpu.memory_space<vmem>>, vector<16xf32>,
      %dma_start3A = arith.constant 0 : i32
      %dma_start3A_362 = tpu.memref_slice %arg10[%scan3A_23, %dma_start3A] : memref<25x128xf32, #tpu.memory_space<vmem>> -> memref<1x128xf32, #tpu.memory_space<vmem>>
      %dma_start3A_363 = tpu.memref_squeeze %dma_start3A_362 : memref<1x128xf32, #tpu.memory_space<vmem>> -> memref<128xf32, #tpu.memory_space<vmem>>
      %dma_start3A_364 = arith.constant 0 : i32
      %dma_start3A_365 = tpu.memref_slice %arg6[%scan3A_23, %dma_start3A_364] : memref<25x128xi32, #tpu.memory_space<vmem>> -> memref<1x128xi32, #tpu.memory_space<vmem>>
      %dma_start3A_366 = tpu.memref_squeeze %dma_start3A_365 : memref<1x128xi32, #tpu.memory_space<vmem>> -> memref<128xi32, #tpu.memory_space<vmem>>
      %dma_start3A_367 = arith.constant 0 : i32
      %dma_start3A_368 = tpu.memref_slice %arg2[%dma_start3A_367] : memref<6400000xf32, #tpu.memory_space<hbm>> -> memref<6400000xf32, #tpu.memory_space<hbm>>
      tpu.enqueue_indirect_dma source(%dma_start3A_368 : memref<6400000xf32, #tpu.memory_space<hbm>>) target(%dma_start3A_363 : memref<128xf32, #tpu.memory_space<vmem>>) offsets(%dma_start3A_366 : memref<128xi32, #tpu.memory_space<vmem>>) semaphore(%arg13 : memref<!tpu.dma_semaphore, #tpu.memory_space<semaphore_mem>>)
      %dma_start3A_369 = arith.constant 0 : i32
      %dma_start3A_370 = tpu.memref_slice %arg11[%scan3A_23, %dma_start3A_369] : memref<25x128xf32, #tpu.memory_space<vmem>> -> memref<1x128xf32, #tpu.memory_space<vmem>>
      %dma_start3A_371 = tpu.memref_squeeze %dma_start3A_370 : memref<1x128xf32, #tpu.memory_space<vmem>> -> memref<128xf32, #tpu.memory_space<vmem>>
      %dma_start3A_372 = arith.constant 0 : i32
      %dma_start3A_373 = tpu.memref_slice %arg7[%scan3A_23, %dma_start3A_372] : memref<25x128xi32, #tpu.memory_space<vmem>> -> memref<1x128xi32, #tpu.memory_space<vmem>>
      %dma_start3A_374 = tpu.memref_squeeze %dma_start3A_373 : memref<1x128xi32, #tpu.memory_space<vmem>> -> memref<128xi32, #tpu.memory_space<vmem>>
      %dma_start3A_375 = arith.constant 0 : i32
      %dma_start3A_376 = tpu.memref_slice %arg2[%dma_start3A_375] : memref<6400000xf32, #tpu.memory_space<hbm>> -> memref<6400000xf32, #tpu.memory_space<hbm>>
      tpu.enqueue_indirect_dma source(%dma_start3A_376 : memref<6400000xf32, #tpu.memory_space<hbm>>) target(%dma_start3A_371 : memref<128xf32, #tpu.memory_space<vmem>>) offsets(%dma_start3A_374 : memref<128xi32, #tpu.memory_space<vmem>>) semaphore(%arg13 : memref<!tpu.dma_semaphore, #tpu.memory_space<semaphore_mem>>)
    }
    %scan3A_10 = arith.constant 25 : i32
    %scan3A_11 = arith.constant 0 : i32
    %scan3A_12 = arith.constant 0 : i32
    %scan3A_13 = arith.constant 25 : i32
    %scan3A_14 = arith.addi %scan3A_12, %scan3A_13 : i32
    %scan3A_15 = arith.constant 1 : i32
    scf.for %scan3A_23 = %scan3A_12 to %scan3A_14 step %scan3A_15  : i32 {
      %dma_wait3A = arith.constant 0 : i32
      %dma_wait3A_24 = tpu.memref_slice %arg10[%scan3A_23, %dma_wait3A] : memref<25x128xf32, #tpu.memory_space<vmem>> -> memref<1x128xf32, #tpu.memory_space<vmem>>
      %dma_wait3A_25 = tpu.memref_squeeze %dma_wait3A_24 : memref<1x128xf32, #tpu.memory_space<vmem>> -> memref<128xf32, #tpu.memory_space<vmem>>
      %dma_wait3A_26 = arith.constant 0 : i32
      %dma_wait3A_27 = tpu.memref_slice %arg2[%dma_wait3A_26] : memref<6400000xf32, #tpu.memory_space<hbm>> -> memref<128xf32, #tpu.memory_space<hbm>>
      %dma_wait3A_28 = arith.constant 0 : i32
      %dma_wait3A_29 = tpu.memref_slice %arg10[%scan3A_23, %dma_wait3A_28] : memref<25x128xf32, #tpu.memory_space<vmem>> -> memref<1x128xf32, #tpu.memory_space<vmem>>
      %dma_wait3A_30 = tpu.memref_squeeze %dma_wait3A_29 : memref<1x128xf32, #tpu.memory_space<vmem>> -> memref<128xf32, #tpu.memory_space<vmem>>
      %dma_wait3A_31 = arith.constant 0 : i32
      %dma_wait3A_32 = tpu.memref_slice %arg2[%dma_wait3A_31] : memref<6400000xf32, #tpu.memory_space<hbm>> -> memref<128xf32, #tpu.memory_space<hbm>>
      tpu.wait_dma2 semaphore(%arg13 : memref<!tpu.dma_semaphore, #tpu.memory_space<semaphore_mem>>) src(%dma_wait3A_32 : memref<128xf32, #tpu.memory_space<hbm>>) dst(%dma_wait3A_30 : memref<128xf32, #tpu.memory_space<vmem>>)
      %dma_wait3A_33 = arith.constant 0 : i32
      %dma_wait3A_34 = tpu.memref_slice %arg10[%scan3A_23, %dma_wait3A_33] : memref<25x128xf32, #tpu.memory_space<vmem>> -> memref<1x128xf32, #tpu.memory_space<vmem>>
      %dma_wait3A_35 = tpu.memref_squeeze %dma_wait3A_34 : memref<1x128xf32, #tpu.memory_space<vmem>> -> memref<128xf32, #tpu.memory_space<vmem>>
      %dma_wait3A_36 = arith.constant 0 : i32
      %dma_wait3A_37 = tpu.memref_slice %arg2[%dma_wait3A_36] : memref<6400000xf32, #tpu.memory_space<hbm>> -> memref<128xf32, #tpu.memory_space<hbm>>
      %dma_wait3A_38 = arith.constant 0 : i32
      %dma_wait3A_39 = tpu.memref_slice %arg10[%scan3A_23, %dma_wait3A_38] : memref<25x128xf32, #tpu.memory_space<vmem>> -> memref<1x128xf32, #tpu.memory_space<vmem>>
      %dma_wait3A_40 = tpu.memref_squeeze %dma_wait3A_39 : memref<1x128xf32, #tpu.memory_space<vmem>> -> memref<128xf32, #tpu.memory_space<vmem>>
      %dma_wait3A_41 = arith.constant 0 : i32
      %dma_wait3A_42 = tpu.memref_slice %arg2[%dma_wait3A_41] : memref<6400000xf32, #tpu.memory_space<hbm>> -> memref<128xf32, #tpu.memory_space<hbm>>
      tpu.wait_dma2 semaphore(%arg13 : memref<!tpu.dma_semaphore, #tpu.memory_space<semaphore_mem>>) src(%dma_wait3A_42 : memref<128xf32, #tpu.memory_space<hbm>>) dst(%dma_wait3A_40 : memref<128xf32, #tpu.memory_space<vmem>>)
    }
    %scan3A_16 = arith.constant 25 : i32
    %scan3A_17 = arith.constant 0 : i32
    %scan3A_18 = arith.constant 0 : i32
    %scan3A_19 = arith.constant 25 : i32
    %scan3A_20 = arith.addi %scan3A_18, %scan3A_19 : i32
    %scan3A_21 = arith.constant 1 : i32
    scf.for %scan3A_23 = %scan3A_18 to %scan3A_20 step %scan3A_21  : i32 {
      %get3A = arith.index_cast %scan3A_23 : i32 to index
      %get3A_24 = arith.constant 0 : index
      %get3A_25 = tpu.vector_load %arg10[%get3A, %get3A_24] {strides = array<i32>} : memref<25x128xf32, #tpu.memory_space<vmem>>, vector<16xf32>,
      %get3A_26 = arith.index_cast %scan3A_23 : i32 to index
      %get3A_27 = arith.constant 0 : index
      %get3A_28 = tpu.vector_load %arg8[%get3A_26, %get3A_27] {strides = array<i32>} : memref<25x128xf32, #tpu.memory_space<vmem>>, vector<16xf32>,
      %mul3A_29 = arith.mulf %get3A_25, %get3A_28 : vector<16xf32>
      %get3A_30 = arith.index_cast %scan3A_23 : i32 to index
      %get3A_31 = arith.constant 0 : index
      %get3A_32 = tpu.vector_load %arg11[%get3A_30, %get3A_31] {strides = array<i32>} : memref<25x128xf32, #tpu.memory_space<vmem>>, vector<16xf32>,
      %get3A_33 = arith.index_cast %scan3A_23 : i32 to index
      %get3A_34 = arith.constant 0 : index
      %get3A_35 = tpu.vector_load %arg9[%get3A_33, %get3A_34] {strides = array<i32>} : memref<25x128xf32, #tpu.memory_space<vmem>>, vector<16xf32>,
      %mul3A_36 = arith.mulf %get3A_32, %get3A_35 : vector<16xf32>
      %sub3A = arith.subf %mul3A_29, %mul3A_36 : vector<16xf32>
      %mul3A_37 = arith.constant 128 : i32
      %mul3A_38 = arith.muli %scan3A_23, %mul3A_37 : i32
      %add3A_39 = arith.constant 0 : i32
      %add3A_40 = arith.addi %mul3A_38, %add3A_39 : i32
      %swap3A = arith.index_cast %add3A_40 : i32 to index
      %swap3A_41 = tpu.vector_load %arg12[%swap3A] {strides = array<i32>} : memref<3200xf32, #tpu.memory_space<vmem>>, vector<16xf32>,
      tpu.vector_store %arg12[%swap3A], %sub3A {strides = array<i32>} : memref<3200xf32, #tpu.memory_space<vmem>>, vector<16xf32>,
      %get3A_42 = arith.index_cast %scan3A_23 : i32 to index
      %get3A_43 = arith.constant 16 : index
      %get3A_44 = tpu.vector_load %arg10[%get3A_42, %get3A_43] {strides = array<i32>} : memref<25x128xf32, #tpu.memory_space<vmem>>, vector<16xf32>,
      %get3A_45 = arith.index_cast %scan3A_23 : i32 to index
      %get3A_46 = arith.constant 16 : index
      %get3A_47 = tpu.vector_load %arg8[%get3A_45, %get3A_46] {strides = array<i32>} : memref<25x128xf32, #tpu.memory_space<vmem>>, vector<16xf32>,
      %mul3A_48 = arith.mulf %get3A_44, %get3A_47 : vector<16xf32>
      %get3A_49 = arith.index_cast %scan3A_23 : i32 to index
      %get3A_50 = arith.constant 16 : index
      %get3A_51 = tpu.vector_load %arg11[%get3A_49, %get3A_50] {strides = array<i32>} : memref<25x128xf32, #tpu.memory_space<vmem>>, vector<16xf32>,
      %get3A_52 = arith.index_cast %scan3A_23 : i32 to index
      %get3A_53 = arith.constant 16 : index
      %get3A_54 = tpu.vector_load %arg9[%get3A_52, %get3A_53] {strides = array<i32>} : memref<25x128xf32, #tpu.memory_space<vmem>>, vector<16xf32>,
      %mul3A_55 = arith.mulf %get3A_51, %get3A_54 : vector<16xf32>
      %sub3A_56 = arith.subf %mul3A_48, %mul3A_55 : vector<16xf32>
      %mul3A_57 = arith.constant 128 : i32
      %mul3A_58 = arith.muli %scan3A_23, %mul3A_57 : i32
      %add3A_59 = arith.constant 16 : i32
      %add3A_60 = arith.addi %mul3A_58, %add3A_59 : i32
      %swap3A_61 = arith.index_cast %add3A_60 : i32 to index
      %swap3A_62 = tpu.vector_load %arg12[%swap3A_61] {strides = array<i32>} : memref<3200xf32, #tpu.memory_space<vmem>>, vector<16xf32>,
      tpu.vector_store %arg12[%swap3A_61], %sub3A_56 {strides = array<i32>} : memref<3200xf32, #tpu.memory_space<vmem>>, vector<16xf32>,
      %get3A_63 = arith.index_cast %scan3A_23 : i32 to index
      %get3A_64 = arith.constant 32 : index
      %get3A_65 = tpu.vector_load %arg10[%get3A_63, %get3A_64] {strides = array<i32>} : memref<25x128xf32, #tpu.memory_space<vmem>>, vector<16xf32>,
      %get3A_66 = arith.index_cast %scan3A_23 : i32 to index
      %get3A_67 = arith.constant 32 : index
      %get3A_68 = tpu.vector_load %arg8[%get3A_66, %get3A_67] {strides = array<i32>} : memref<25x128xf32, #tpu.memory_space<vmem>>, vector<16xf32>,
      %mul3A_69 = arith.mulf %get3A_65, %get3A_68 : vector<16xf32>
      %get3A_70 = arith.index_cast %scan3A_23 : i32 to index
      %get3A_71 = arith.constant 32 : index
      %get3A_72 = tpu.vector_load %arg11[%get3A_70, %get3A_71] {strides = array<i32>} : memref<25x128xf32, #tpu.memory_space<vmem>>, vector<16xf32>,
      %get3A_73 = arith.index_cast %scan3A_23 : i32 to index
      %get3A_74 = arith.constant 32 : index
      %get3A_75 = tpu.vector_load %arg9[%get3A_73, %get3A_74] {strides = array<i32>} : memref<25x128xf32, #tpu.memory_space<vmem>>, vector<16xf32>,
      %mul3A_76 = arith.mulf %get3A_72, %get3A_75 : vector<16xf32>
      %sub3A_77 = arith.subf %mul3A_69, %mul3A_76 : vector<16xf32>
      %mul3A_78 = arith.constant 128 : i32
      %mul3A_79 = arith.muli %scan3A_23, %mul3A_78 : i32
      %add3A_80 = arith.constant 32 : i32
      %add3A_81 = arith.addi %mul3A_79, %add3A_80 : i32
      %swap3A_82 = arith.index_cast %add3A_81 : i32 to index
      %swap3A_83 = tpu.vector_load %arg12[%swap3A_82] {strides = array<i32>} : memref<3200xf32, #tpu.memory_space<vmem>>, vector<16xf32>,
      tpu.vector_store %arg12[%swap3A_82], %sub3A_77 {strides = array<i32>} : memref<3200xf32, #tpu.memory_space<vmem>>, vector<16xf32>,
      %get3A_84 = arith.index_cast %scan3A_23 : i32 to index
      %get3A_85 = arith.constant 48 : index
      %get3A_86 = tpu.vector_load %arg10[%get3A_84, %get3A_85] {strides = array<i32>} : memref<25x128xf32, #tpu.memory_space<vmem>>, vector<16xf32>,
      %get3A_87 = arith.index_cast %scan3A_23 : i32 to index
      %get3A_88 = arith.constant 48 : index
      %get3A_89 = tpu.vector_load %arg8[%get3A_87, %get3A_88] {strides = array<i32>} : memref<25x128xf32, #tpu.memory_space<vmem>>, vector<16xf32>,
      %mul3A_90 = arith.mulf %get3A_86, %get3A_89 : vector<16xf32>
      %get3A_91 = arith.index_cast %scan3A_23 : i32 to index
      %get3A_92 = arith.constant 48 : index
      %get3A_93 = tpu.vector_load %arg11[%get3A_91, %get3A_92] {strides = array<i32>} : memref<25x128xf32, #tpu.memory_space<vmem>>, vector<16xf32>,
      %get3A_94 = arith.index_cast %scan3A_23 : i32 to index
      %get3A_95 = arith.constant 48 : index
      %get3A_96 = tpu.vector_load %arg9[%get3A_94, %get3A_95] {strides = array<i32>} : memref<25x128xf32, #tpu.memory_space<vmem>>, vector<16xf32>,
      %mul3A_97 = arith.mulf %get3A_93, %get3A_96 : vector<16xf32>
      %sub3A_98 = arith.subf %mul3A_90, %mul3A_97 : vector<16xf32>
      %mul3A_99 = arith.constant 128 : i32
      %mul3A_100 = arith.muli %scan3A_23, %mul3A_99 : i32
      %add3A_101 = arith.constant 48 : i32
      %add3A_102 = arith.addi %mul3A_100, %add3A_101 : i32
      %swap3A_103 = arith.index_cast %add3A_102 : i32 to index
      %swap3A_104 = tpu.vector_load %arg12[%swap3A_103] {strides = array<i32>} : memref<3200xf32, #tpu.memory_space<vmem>>, vector<16xf32>,
      tpu.vector_store %arg12[%swap3A_103], %sub3A_98 {strides = array<i32>} : memref<3200xf32, #tpu.memory_space<vmem>>, vector<16xf32>,
      %get3A_105 = arith.index_cast %scan3A_23 : i32 to index
      %get3A_106 = arith.constant 64 : index
      %get3A_107 = tpu.vector_load %arg10[%get3A_105, %get3A_106] {strides = array<i32>} : memref<25x128xf32, #tpu.memory_space<vmem>>, vector<16xf32>,
      %get3A_108 = arith.index_cast %scan3A_23 : i32 to index
      %get3A_109 = arith.constant 64 : index
      %get3A_110 = tpu.vector_load %arg8[%get3A_108, %get3A_109] {strides = array<i32>} : memref<25x128xf32, #tpu.memory_space<vmem>>, vector<16xf32>,
      %mul3A_111 = arith.mulf %get3A_107, %get3A_110 : vector<16xf32>
      %get3A_112 = arith.index_cast %scan3A_23 : i32 to index
      %get3A_113 = arith.constant 64 : index
      %get3A_114 = tpu.vector_load %arg11[%get3A_112, %get3A_113] {strides = array<i32>} : memref<25x128xf32, #tpu.memory_space<vmem>>, vector<16xf32>,
      %get3A_115 = arith.index_cast %scan3A_23 : i32 to index
      %get3A_116 = arith.constant 64 : index
      %get3A_117 = tpu.vector_load %arg9[%get3A_115, %get3A_116] {strides = array<i32>} : memref<25x128xf32, #tpu.memory_space<vmem>>, vector<16xf32>,
      %mul3A_118 = arith.mulf %get3A_114, %get3A_117 : vector<16xf32>
      %sub3A_119 = arith.subf %mul3A_111, %mul3A_118 : vector<16xf32>
      %mul3A_120 = arith.constant 128 : i32
      %mul3A_121 = arith.muli %scan3A_23, %mul3A_120 : i32
      %add3A_122 = arith.constant 64 : i32
      %add3A_123 = arith.addi %mul3A_121, %add3A_122 : i32
      %swap3A_124 = arith.index_cast %add3A_123 : i32 to index
      %swap3A_125 = tpu.vector_load %arg12[%swap3A_124] {strides = array<i32>} : memref<3200xf32, #tpu.memory_space<vmem>>, vector<16xf32>,
      tpu.vector_store %arg12[%swap3A_124], %sub3A_119 {strides = array<i32>} : memref<3200xf32, #tpu.memory_space<vmem>>, vector<16xf32>,
      %get3A_126 = arith.index_cast %scan3A_23 : i32 to index
      %get3A_127 = arith.constant 80 : index
      %get3A_128 = tpu.vector_load %arg10[%get3A_126, %get3A_127] {strides = array<i32>} : memref<25x128xf32, #tpu.memory_space<vmem>>, vector<16xf32>,
      %get3A_129 = arith.index_cast %scan3A_23 : i32 to index
      %get3A_130 = arith.constant 80 : index
      %get3A_131 = tpu.vector_load %arg8[%get3A_129, %get3A_130] {strides = array<i32>} : memref<25x128xf32, #tpu.memory_space<vmem>>, vector<16xf32>,
      %mul3A_132 = arith.mulf %get3A_128, %get3A_131 : vector<16xf32>
      %get3A_133 = arith.index_cast %scan3A_23 : i32 to index
      %get3A_134 = arith.constant 80 : index
      %get3A_135 = tpu.vector_load %arg11[%get3A_133, %get3A_134] {strides = array<i32>} : memref<25x128xf32, #tpu.memory_space<vmem>>, vector<16xf32>,
      %get3A_136 = arith.index_cast %scan3A_23 : i32 to index
      %get3A_137 = arith.constant 80 : index
      %get3A_138 = tpu.vector_load %arg9[%get3A_136, %get3A_137] {strides = array<i32>} : memref<25x128xf32, #tpu.memory_space<vmem>>, vector<16xf32>,
      %mul3A_139 = arith.mulf %get3A_135, %get3A_138 : vector<16xf32>
      %sub3A_140 = arith.subf %mul3A_132, %mul3A_139 : vector<16xf32>
      %mul3A_141 = arith.constant 128 : i32
      %mul3A_142 = arith.muli %scan3A_23, %mul3A_141 : i32
      %add3A_143 = arith.constant 80 : i32
      %add3A_144 = arith.addi %mul3A_142, %add3A_143 : i32
      %swap3A_145 = arith.index_cast %add3A_144 : i32 to index
      %swap3A_146 = tpu.vector_load %arg12[%swap3A_145] {strides = array<i32>} : memref<3200xf32, #tpu.memory_space<vmem>>, vector<16xf32>,
      tpu.vector_store %arg12[%swap3A_145], %sub3A_140 {strides = array<i32>} : memref<3200xf32, #tpu.memory_space<vmem>>, vector<16xf32>,
      %get3A_147 = arith.index_cast %scan3A_23 : i32 to index
      %get3A_148 = arith.constant 96 : index
      %get3A_149 = tpu.vector_load %arg10[%get3A_147, %get3A_148] {strides = array<i32>} : memref<25x128xf32, #tpu.memory_space<vmem>>, vector<16xf32>,
      %get3A_150 = arith.index_cast %scan3A_23 : i32 to index
      %get3A_151 = arith.constant 96 : index
      %get3A_152 = tpu.vector_load %arg8[%get3A_150, %get3A_151] {strides = array<i32>} : memref<25x128xf32, #tpu.memory_space<vmem>>, vector<16xf32>,
      %mul3A_153 = arith.mulf %get3A_149, %get3A_152 : vector<16xf32>
      %get3A_154 = arith.index_cast %scan3A_23 : i32 to index
      %get3A_155 = arith.constant 96 : index
      %get3A_156 = tpu.vector_load %arg11[%get3A_154, %get3A_155] {strides = array<i32>} : memref<25x128xf32, #tpu.memory_space<vmem>>, vector<16xf32>,
      %get3A_157 = arith.index_cast %scan3A_23 : i32 to index
      %get3A_158 = arith.constant 96 : index
      %get3A_159 = tpu.vector_load %arg9[%get3A_157, %get3A_158] {strides = array<i32>} : memref<25x128xf32, #tpu.memory_space<vmem>>, vector<16xf32>,
      %mul3A_160 = arith.mulf %get3A_156, %get3A_159 : vector<16xf32>
      %sub3A_161 = arith.subf %mul3A_153, %mul3A_160 : vector<16xf32>
      %mul3A_162 = arith.constant 128 : i32
      %mul3A_163 = arith.muli %scan3A_23, %mul3A_162 : i32
      %add3A_164 = arith.constant 96 : i32
      %add3A_165 = arith.addi %mul3A_163, %add3A_164 : i32
      %swap3A_166 = arith.index_cast %add3A_165 : i32 to index
      %swap3A_167 = tpu.vector_load %arg12[%swap3A_166] {strides = array<i32>} : memref<3200xf32, #tpu.memory_space<vmem>>, vector<16xf32>,
      tpu.vector_store %arg12[%swap3A_166], %sub3A_161 {strides = array<i32>} : memref<3200xf32, #tpu.memory_space<vmem>>, vector<16xf32>,
      %get3A_168 = arith.index_cast %scan3A_23 : i32 to index
      %get3A_169 = arith.constant 112 : index
      %get3A_170 = tpu.vector_load %arg10[%get3A_168, %get3A_169] {strides = array<i32>} : memref<25x128xf32, #tpu.memory_space<vmem>>, vector<16xf32>,
      %get3A_171 = arith.index_cast %scan3A_23 : i32 to index
      %get3A_172 = arith.constant 112 : index
      %get3A_173 = tpu.vector_load %arg8[%get3A_171, %get3A_172] {strides = array<i32>} : memref<25x128xf32, #tpu.memory_space<vmem>>, vector<16xf32>,
      %mul3A_174 = arith.mulf %get3A_170, %get3A_173 : vector<16xf32>
      %get3A_175 = arith.index_cast %scan3A_23 : i32 to index
      %get3A_176 = arith.constant 112 : index
      %get3A_177 = tpu.vector_load %arg11[%get3A_175, %get3A_176] {strides = array<i32>} : memref<25x128xf32, #tpu.memory_space<vmem>>, vector<16xf32>,
      %get3A_178 = arith.index_cast %scan3A_23 : i32 to index
      %get3A_179 = arith.constant 112 : index
      %get3A_180 = tpu.vector_load %arg9[%get3A_178, %get3A_179] {strides = array<i32>} : memref<25x128xf32, #tpu.memory_space<vmem>>, vector<16xf32>,
      %mul3A_181 = arith.mulf %get3A_177, %get3A_180 : vector<16xf32>
      %sub3A_182 = arith.subf %mul3A_174, %mul3A_181 : vector<16xf32>
      %mul3A_183 = arith.constant 128 : i32
      %mul3A_184 = arith.muli %scan3A_23, %mul3A_183 : i32
      %add3A_185 = arith.constant 112 : i32
      %add3A_186 = arith.addi %mul3A_184, %add3A_185 : i32
      %swap3A_187 = arith.index_cast %add3A_186 : i32 to index
      %swap3A_188 = tpu.vector_load %arg12[%swap3A_187] {strides = array<i32>} : memref<3200xf32, #tpu.memory_space<vmem>>, vector<16xf32>,
      tpu.vector_store %arg12[%swap3A_187], %sub3A_182 {strides = array<i32>} : memref<3200xf32, #tpu.memory_space<vmem>>, vector<16xf32>,
    }
    %scan3A_22 = arith.constant 25 : i32
    "tpu.region"() ({
      %run_scoped3A = tpu.sem_alloc : memref<!tpu.dma_semaphore, #tpu.memory_space<semaphore_mem>>
      %dma_start3A = tpu.memref_slice %arg4[%mul3A_2] : memref<102400xf32, #tpu.memory_space<hbm>> -> memref<3200xf32, #tpu.memory_space<hbm>>
      %dma_start3A_23 = tpu.memref_slice %arg4[%mul3A_2] : memref<102400xf32, #tpu.memory_space<hbm>> -> memref<3200xf32, #tpu.memory_space<hbm>>
      tpu.enqueue_dma source(%arg12 : memref<3200xf32, #tpu.memory_space<vmem>>) target(%dma_start3A_23 : memref<3200xf32, #tpu.memory_space<hbm>>) target_semaphore(%run_scoped3A : memref<!tpu.dma_semaphore, #tpu.memory_space<semaphore_mem>>)
      %dma_wait3A = tpu.memref_slice %arg4[%mul3A_2] : memref<102400xf32, #tpu.memory_space<hbm>> -> memref<3200xf32, #tpu.memory_space<hbm>>
      %dma_wait3A_24 = tpu.memref_slice %arg4[%mul3A_2] : memref<102400xf32, #tpu.memory_space<hbm>> -> memref<3200xf32, #tpu.memory_space<hbm>>
      tpu.wait_dma2 semaphore(%run_scoped3A : memref<!tpu.dma_semaphore, #tpu.memory_space<semaphore_mem>>) src(%arg12 : memref<3200xf32, #tpu.memory_space<vmem>>) dst(%dma_wait3A_24 : memref<3200xf32, #tpu.memory_space<hbm>>)
      tpu.yield
    }) : () -> ()
    return
  }
}

module attributes {stable_mosaic.version = 14 : i64} {
  func.func @_tc_body(%arg0: i32, %arg1: memref<2000x128xf32, #tpu.memory_space<vmem>>, %arg2: memref<2000x128xf32, #tpu.memory_space<vmem>>, %arg3: memref<2000x128xf32, #tpu.memory_space<vmem>>, %arg4: memref<1x3xf32, #tpu.memory_space<vmem>>, %arg5: memref<2000x128xf32, #tpu.memory_space<vmem>>, %arg6: memref<2000x128xf32, #tpu.memory_space<vmem>>, %arg7: memref<2000x128xf32, #tpu.memory_space<vmem>>, %arg8: memref<2000x128xf32, #tpu.memory_space<vmem>>, %arg9: memref<1x1xf32, #tpu.memory_space<smem>>) attributes {dimension_semantics = [#tpu.dimension_semantics<arbitrary>], iteration_bounds = array<i64: 25>, scalar_prefetch = 0 : i64, scratch_operands = 1 : i64, tpu.core_type = #tpu.core_type<tc>, window_params = [{transform_indices = @transform_0, window_bounds = array<i64: 2000, 128>}, {transform_indices = @transform_1, window_bounds = array<i64: 2000, 128>}, {transform_indices = @transform_2, window_bounds = array<i64: 2000, 128>}, {pipeline_mode = #tpu.pipeline_mode<synchronous>, transform_indices = @transform_3, window_bounds = array<i64: 1, 3>}, {transform_indices = @transform_4, window_bounds = array<i64: 2000, 128>}, {transform_indices = @transform_5, window_bounds = array<i64: 2000, 128>}, {transform_indices = @transform_6, window_bounds = array<i64: 2000, 128>}, {transform_indices = @transform_7, window_bounds = array<i64: 2000, 128>}]} {
    %eq3A = arith.constant 0 : i32
    %eq3A_0 = arith.cmpi eq, %arg0, %eq3A : i32
    %convert_element_type3A = arith.extui %eq3A_0 : i1 to i32
    %cond3A = arith.constant 0 : i32
    %cond3A_1 = arith.cmpi ne, %convert_element_type3A, %cond3A : i32
    scf.if %cond3A_1 {
      %swap3A_74 = arith.constant 0.000000e+00 : f32
      %swap3A_75 = arith.constant 0 : index
      %swap3A_76 = arith.constant 0 : index
      %swap3A_77 = memref.load %arg9[%swap3A_75, %swap3A_76] : memref<1x1xf32, #tpu.memory_space<smem>>
      memref.store %swap3A_74, %arg9[%swap3A_75, %swap3A_76] : memref<1x1xf32, #tpu.memory_space<smem>>
    } else {
    }
    %get3A = arith.constant 0 : index
    %get3A_2 = arith.constant 0 : index
    %get3A_3 = vector.load %arg4[%get3A, %get3A_2] : memref<1x3xf32, #tpu.memory_space<vmem>>, vector<1x3xf32>
    %get3A_4 = arith.constant 0 : index
    %get3A_5 = arith.constant 0 : index
    %get3A_6 = vector.load %arg1[%get3A_4, %get3A_5] : memref<2000x128xf32, #tpu.memory_space<vmem>>, vector<2000x128xf32>
    %get3A_7 = arith.constant 0 : index
    %get3A_8 = arith.constant 0 : index
    %get3A_9 = vector.load %arg2[%get3A_7, %get3A_8] : memref<2000x128xf32, #tpu.memory_space<vmem>>, vector<2000x128xf32>
    %get3A_10 = arith.constant 0 : index
    %get3A_11 = arith.constant 0 : index
    %get3A_12 = vector.load %arg3[%get3A_10, %get3A_11] : memref<2000x128xf32, #tpu.memory_space<vmem>>, vector<2000x128xf32>
    %slice3A = vector.extract_strided_slice %get3A_3 {offsets = [0, 0], sizes = [1, 1], strides = [1, 1]} : vector<1x3xf32> to vector<1x1xf32>
    %squeeze3A = vector.extract %slice3A[0, 0] : f32 from vector<1x1xf32>
    %sub3A = vector.broadcast %squeeze3A : f32 to vector<2000x128xf32>
    %sub3A_13 = arith.subf %get3A_6, %sub3A : vector<2000x128xf32>
    %slice3A_14 = vector.extract_strided_slice %get3A_3 {offsets = [0, 1], sizes = [1, 1], strides = [1, 1]} : vector<1x3xf32> to vector<1x1xf32>
    %squeeze3A_15 = vector.extract %slice3A_14[0, 0] : f32 from vector<1x1xf32>
    %sub3A_16 = vector.broadcast %squeeze3A_15 : f32 to vector<2000x128xf32>
    %sub3A_17 = arith.subf %get3A_9, %sub3A_16 : vector<2000x128xf32>
    %slice3A_18 = vector.extract_strided_slice %get3A_3 {offsets = [0, 2], sizes = [1, 1], strides = [1, 1]} : vector<1x3xf32> to vector<1x1xf32>
    %squeeze3A_19 = vector.extract %slice3A_18[0, 0] : f32 from vector<1x1xf32>
    %sub3A_20 = vector.broadcast %squeeze3A_19 : f32 to vector<2000x128xf32>
    %sub3A_21 = arith.subf %get3A_12, %sub3A_20 : vector<2000x128xf32>
    %mul3A = arith.constant -2.000000e+00 : f32
    %mul3A_22 = vector.broadcast %mul3A : f32 to vector<2000x128xf32>
    %mul3A_23 = arith.mulf %mul3A_22, %sub3A_13 : vector<2000x128xf32>
    %swap3A = arith.constant 0 : index
    %swap3A_24 = arith.constant 0 : index
    %swap3A_25 = vector.load %arg5[%swap3A, %swap3A_24] : memref<2000x128xf32, #tpu.memory_space<vmem>>, vector<2000x128xf32>
    tpu.vector_store %arg5[%swap3A, %swap3A_24], %mul3A_23 {strides = array<i32>} : memref<2000x128xf32, #tpu.memory_space<vmem>>, vector<2000x128xf32>,
    %mul3A_26 = arith.constant -2.000000e+00 : f32
    %mul3A_27 = vector.broadcast %mul3A_26 : f32 to vector<2000x128xf32>
    %mul3A_28 = arith.mulf %mul3A_27, %sub3A_17 : vector<2000x128xf32>
    %swap3A_29 = arith.constant 0 : index
    %swap3A_30 = arith.constant 0 : index
    %swap3A_31 = vector.load %arg6[%swap3A_29, %swap3A_30] : memref<2000x128xf32, #tpu.memory_space<vmem>>, vector<2000x128xf32>
    tpu.vector_store %arg6[%swap3A_29, %swap3A_30], %mul3A_28 {strides = array<i32>} : memref<2000x128xf32, #tpu.memory_space<vmem>>, vector<2000x128xf32>,
    %mul3A_32 = arith.constant -2.000000e+00 : f32
    %mul3A_33 = vector.broadcast %mul3A_32 : f32 to vector<2000x128xf32>
    %mul3A_34 = arith.mulf %mul3A_33, %sub3A_21 : vector<2000x128xf32>
    %swap3A_35 = arith.constant 0 : index
    %swap3A_36 = arith.constant 0 : index
    %swap3A_37 = vector.load %arg7[%swap3A_35, %swap3A_36] : memref<2000x128xf32, #tpu.memory_space<vmem>>, vector<2000x128xf32>
    tpu.vector_store %arg7[%swap3A_35, %swap3A_36], %mul3A_34 {strides = array<i32>} : memref<2000x128xf32, #tpu.memory_space<vmem>>, vector<2000x128xf32>,
    %mul3A_38 = arith.mulf %sub3A_13, %sub3A_13 : vector<2000x128xf32>
    %mul3A_39 = arith.mulf %sub3A_17, %sub3A_17 : vector<2000x128xf32>
    %add3A = arith.addf %mul3A_38, %mul3A_39 : vector<2000x128xf32>
    %mul3A_40 = arith.mulf %sub3A_21, %sub3A_21 : vector<2000x128xf32>
    %add3A_41 = arith.addf %add3A, %mul3A_40 : vector<2000x128xf32>
    %iota3A = tpu.iota {dimensions = array<i32: 0>} : vector<128x128xi32>
    %iota3A_42 = tpu.iota {dimensions = array<i32: 1>} : vector<128x128xi32>
    %le3A = arith.cmpi sle, %iota3A, %iota3A_42 : vector<128x128xi32>
    %jit3A = arith.constant 1.000000e+00 : f32
    %jit3A_43 = arith.constant 0.000000e+00 : f32
    %broadcast_in_dim3A = vector.broadcast %jit3A : f32 to vector<128x128xf32>
    %broadcast_in_dim3A_44 = vector.broadcast %jit3A_43 : f32 to vector<128x128xf32>
    %select_n3A = arith.select %le3A, %broadcast_in_dim3A, %broadcast_in_dim3A_44 : vector<128x128xi1>, vector<128x128xf32>
    %dot_general3A = arith.constant dense<0.000000e+00> : vector<2000x128xf32>
    %dot_general3A_45 = tpu.matmul %add3A_41, %select_n3A, %dot_general3A {dimension_numbers = #tpu.dot_dimension_numbers<[1], [0], [0], [1], [0, 0, 1, 1], [], []>, transpose_lhs_hint = false} : vector<2000x128xf32>, vector<128x128xf32>, vector<2000x128xf32> -> vector<2000x128xf32>
    %slice3A_46 = vector.extract_strided_slice %dot_general3A_45 {offsets = [0, 127], sizes = [2000, 1], strides = [1, 1]} : vector<2000x128xf32> to vector<2000x1xf32>
    %iota3A_47 = tpu.iota {dimensions = array<i32: 0>} : vector<2000x2000xi32>
    %iota3A_48 = tpu.iota {dimensions = array<i32: 1>} : vector<2000x2000xi32>
    %lt3A = arith.cmpi slt, %iota3A_48, %iota3A_47 : vector<2000x2000xi32>
    %jit3A_49 = arith.constant 1.000000e+00 : f32
    %jit3A_50 = arith.constant 0.000000e+00 : f32
    %broadcast_in_dim3A_51 = vector.broadcast %jit3A_49 : f32 to vector<2000x2000xf32>
    %broadcast_in_dim3A_52 = vector.broadcast %jit3A_50 : f32 to vector<2000x2000xf32>
    %select_n3A_53 = arith.select %lt3A, %broadcast_in_dim3A_51, %broadcast_in_dim3A_52 : vector<2000x2000xi1>, vector<2000x2000xf32>
    %dot_general3A_54 = arith.constant dense<0.000000e+00> : vector<2000x1xf32>
    %dot_general3A_55 = tpu.matmul %select_n3A_53, %slice3A_46, %dot_general3A_54 {dimension_numbers = #tpu.dot_dimension_numbers<[1], [0], [0], [1], [0, 0, 1, 1], [], []>, transpose_lhs_hint = false} : vector<2000x2000xf32>, vector<2000x1xf32>, vector<2000x1xf32> -> vector<2000x1xf32>
    %get3A_56 = arith.constant 0 : index
    %get3A_57 = arith.constant 0 : index
    %get3A_58 = memref.load %arg9[%get3A_56, %get3A_57] : memref<1x1xf32, #tpu.memory_space<smem>>
    %add3A_59 = vector.broadcast %dot_general3A_55 : vector<2000x1xf32> to vector<2000x128xf32>
    %add3A_60 = arith.addf %dot_general3A_45, %add3A_59 : vector<2000x128xf32>
    %add3A_61 = vector.broadcast %get3A_58 : f32 to vector<2000x128xf32>
    %add3A_62 = arith.addf %add3A_60, %add3A_61 : vector<2000x128xf32>
    %swap3A_63 = arith.constant 0 : index
    %swap3A_64 = arith.constant 0 : index
    %swap3A_65 = vector.load %arg8[%swap3A_63, %swap3A_64] : memref<2000x128xf32, #tpu.memory_space<vmem>>, vector<2000x128xf32>
    tpu.vector_store %arg8[%swap3A_63, %swap3A_64], %add3A_62 {strides = array<i32>} : memref<2000x128xf32, #tpu.memory_space<vmem>>, vector<2000x128xf32>,
    %reduce_sum3A = vector.shape_cast %slice3A_46 : vector<2000x1xf32> to vector<1x2000x1xf32>
    %reduce_sum3A_66 = arith.constant dense<0.000000e+00> : vector<1xf32>
    %reduce_sum3A_67 = vector.multi_reduction <add>, %reduce_sum3A, %reduce_sum3A_66 [1, 2] : vector<1x2000x1xf32> to vector<1xf32>
    %reduce_sum3A_68 = vector.shape_cast %reduce_sum3A_67 : vector<1xf32> to vector<1x1x1xf32>
    %reduce_sum3A_69 = vector.extract %reduce_sum3A_68[0, 0, 0] : f32 from vector<1x1x1xf32>
    %add3A_70 = arith.addf %get3A_58, %reduce_sum3A_69 : f32
    %swap3A_71 = arith.constant 0 : index
    %swap3A_72 = arith.constant 0 : index
    %swap3A_73 = memref.load %arg9[%swap3A_71, %swap3A_72] : memref<1x1xf32, #tpu.memory_space<smem>>
    memref.store %add3A_70, %arg9[%swap3A_71, %swap3A_72] : memref<1x1xf32, #tpu.memory_space<smem>>
    return
  }
  func.func @transform_0(%arg0: i32) -> (i32, i32) {
    %c0_i32 = arith.constant 0 : i32
    %c0_i32_0 = arith.constant 0 : i32
    return %arg0, %c0_i32 : i32, i32
  }
  func.func @transform_1(%arg0: i32) -> (i32, i32) {
    %c0_i32 = arith.constant 0 : i32
    %c0_i32_0 = arith.constant 0 : i32
    return %arg0, %c0_i32 : i32, i32
  }
  func.func @transform_2(%arg0: i32) -> (i32, i32) {
    %c0_i32 = arith.constant 0 : i32
    %c0_i32_0 = arith.constant 0 : i32
    return %arg0, %c0_i32 : i32, i32
  }
  func.func @transform_3(%arg0: i32) -> (i32, i32) {
    %c0_i32 = arith.constant 0 : i32
    %c0_i32_0 = arith.constant 0 : i32
    %c0_i32_1 = arith.constant 0 : i32
    return %c0_i32, %c0_i32_0 : i32, i32
  }
  func.func @transform_4(%arg0: i32) -> (i32, i32) {
    %c0_i32 = arith.constant 0 : i32
    %c0_i32_0 = arith.constant 0 : i32
    return %arg0, %c0_i32 : i32, i32
  }
  func.func @transform_5(%arg0: i32) -> (i32, i32) {
    %c0_i32 = arith.constant 0 : i32
    %c0_i32_0 = arith.constant 0 : i32
    return %arg0, %c0_i32 : i32, i32
  }
  func.func @transform_6(%arg0: i32) -> (i32, i32) {
    %c0_i32 = arith.constant 0 : i32
    %c0_i32_0 = arith.constant 0 : i32
    return %arg0, %c0_i32 : i32, i32
  }
  func.func @transform_7(%arg0: i32) -> (i32, i32) {
    %c0_i32 = arith.constant 0 : i32
    %c0_i32_0 = arith.constant 0 : i32
    return %arg0, %c0_i32 : i32, i32
  }
}

</mosaic_0001>

<sc_bundles>
// kernel: kernel.4.cloned.1.call-start
scs
__scs_entry_jumppad:
0x0: {  	(pc) =	sbr.rel $0x88, $3  }
0x1: {  	(tag) =	ssettag $0x0;
	lr =	simm.s32 $0x1  }
0x2: {  	[smem:$0x3F9E] =	sst lr;
	_ =	strace $0xD0000000  }
0x3: {  	_ = 	snop  }
0x4: {  	_ = 	snop  }
0x5: {  	_ = 	snop  }
0x6: {  	_ = 	snop  }
0x7: {  	_ = 	snop  }
__scs_overlays_trampoline_lowered:
0x8: {  	[smem:$0x3FAD] =	sst s0  }
0x9: {  	[smem:$0x3FAE] =	sst s1  }
0xa: {  	[smem:$0x3FAF] =	sst s2  }
0xb: {  	[smem:$0x3FB0] =	sst s3  }
0xc: {  	[smem:$0x3FB1] =	sst s4  }
0xd: {  	[smem:$0x3FB2] =	sst s5  }
0xe: {  	[smem:$0x3FB3] =	sst s6  }
0xf: {  	[smem:$0x3FB4] =	sst s7  }
0x10: {  	[smem:$0x3FB5] =	sst s8  }
0x11: {  	[smem:$0x3FB6] =	sst s9;
	s0 =	simm.s32 @!p0 $0x0  }
0x12: {  	s1 =	sld [smem:$0x3F9C];
	s0 =	simm.s32 @p0 $0x1  }
0x13: {  	[smem:$0x3FB7] =	sst s0;
	s0 =	simm.s32 @!p1 $0x0  }
0x14: {  	s2 =	sld [smem:$0x3F9B];
	s0 =	simm.s32 @p1 $0x1  }
0x15: {  	[smem:$0x3FB8] =	sst s0;
	s0 =	simm.s32 @!p2 $0x0  }
0x16: {  	s3 =	sld [smem:$0x3FDB];
	s0 =	simm.s32 @p2 $0x1  }
0x17: {  	s4 =	simm.s32 $0x1BF5;
	[smem:$0x3FBA] =	sst s0  }
0x18: {  	s0 =	sld [smem:$0x3F9D];
	_ =	swait.ge [sflag:s4], $0x0  }
0x19: {  	s7 =	sld [smem:$0x3F9E]  }
0x1a: {  	s8 =	sadd.s32 $0xFFFFE003, lr  }
0x1b: {  	s9 =	sadd.s32 $0xFFFFFEF7, lr;
	s5 =	simm.s32 $0xFFFFFFFF;
	p2 =	slt.u32 s8, $0xFFFFF086  }
0x1c: {  	p1 =	slt.u32 s9, $0xF7A;
	s5 =	simm.s32 @!p2 $0x0  }
0x1d: {  	s5 =	simm.s32 @p1 $0x1;
	p0 =	seq.s32 s7, s2  }
0x1e: {  	s7 =	smul.u32 @!p0 $0xF7A, s2;
	p2 =	seq.s32 @!p0 s5, $0x0  }
0x1f: {  	s9 =	smul.u32 $0xF7A, s1;
	s8 =	simm.s32 @!p0 $0x1BF5;
	p2 =	por !p2, p0  }
0x20: {  	[sflag:s8] =	ssyncset.s32 @!p0 $0xFFFFF086;
	s6 =	sadd.s32 @!p0 s3, s7;
	s7 =	simm.s32 @!p0 $0x108  }
0x21: {  	s3 =	sadd.s32 s3, s9;
	s6 =	sadd.s32 @!p0 $0x88, s6;
	s7 =	simm.s32 @p2 $0x1082  }
0x22: {  	[simem:s7], [sflag:s8] =	dma.local @!p0 [hbm:s6], $0xF7A  }
0x23: {  	s9 =	sor.u32 $0xD0000000, s2;
	s6 =	simm.s32 $0x108;
	_ =	swait.ge @!p0 [sflag:s8], $0x0  }
0x24: {  	s3 =	sadd.s32 $0x88, s3;
	s6 =	simm.s32 @!p1 $0x1082;
	[sflag:s4] =	ssyncset.s32 $0xFFFFF086  }
0x25: {  	[simem:s6], [sflag:s4] =	dma.local [hbm:s3], $0xF7A  }
0x26: {  	[smem:$0x3F9E] =	sst s1;
	(tag) =	ssettag s2;
	_ =	strace s9  }
0x27: {  	s1 =	sld [smem:$0x3FAE]  }
0x28: {  	s2 =	sld [smem:$0x3FAF]  }
0x29: {  	s4 =	sld [smem:$0x3FB1]  }
0x2a: {  	p0 =	seq.s32 s5, $0x0;
	s5 =	sld [smem:$0x3FB2]  }
0x2b: {  	s6 =	sld [smem:$0x3FB3]  }
0x2c: {  	s7 =	sld [smem:$0x3FB4]  }
0x2d: {  	s3 =	simm.s32 $0x108;
	s8 =	sld [smem:$0x3FB5]  }
0x2e: {  	s3 =	simm.s32 @!p0 $0x1082;
	s9 =	sld [smem:$0x3FB6]  }
0x2f: {  	lr =	sadd.s32 s0, s3;
	s0 =	sld [smem:$0x3FAD]  }
0x30: {  	s3 =	sld [smem:$0x3FB0]  }
0x31: {  	[smem:$0x3FB9] =	sst s10  }
0x32: {  	s10 =	sld [smem:$0x3FB7];
	_ =	sdelay $0x3  }
0x33: {  	p0 =	seq.s32 s10, $0x1;
	s10 =	sld [smem:$0x3FB9];
	_ =	sdelay $0x3  }
0x34: {  	[smem:$0x3FB9] =	sst s10  }
0x35: {  	s10 =	sld [smem:$0x3FB8];
	_ =	sdelay $0x3  }
0x36: {  	p1 =	seq.s32 s10, $0x1;
	s10 =	sld [smem:$0x3FB9];
	_ =	sdelay $0x3  }
0x37: {  	[smem:$0x3FB9] =	sst s10  }
0x38: {  	s10 =	sld [smem:$0x3FBA]  }
0x39: {  	_ = 	snop;
	(pc) =	sbr.ind lr, $3  }
0x3a: {  	_ = 	snop  }
0x3b: {  	_ = 	snop  }
0x3c: {  	p2 =	seq.s32 s10, $0x1;
	s10 =	sld [smem:$0x3FB9]  }
0x3d: {  	_ =	shalt  }
0x3e: {  	_ =	shalt  }
0x3f: {  	_ =	shalt  }
0x40: {  	_ =	shalt  }
0x41: {  	_ =	shalt  }
0x42: {  	_ =	shalt  }
0x43: {  	_ =	shalt  }
0x44: {  	_ =	shalt  }
0x45: {  	_ =	shalt  }
0x46: {  	_ =	shalt  }
0x47: {  	_ =	shalt  }
0x48: {  	_ =	shalt  }
0x49: {  	_ =	shalt  }
0x4a: {  	_ =	shalt  }
0x4b: {  	_ =	shalt  }
0x4c: {  	_ =	shalt  }
0x4d: {  	_ =	shalt  }
0x4e: {  	_ =	shalt  }
0x4f: {  	_ =	shalt  }
0x50: {  	_ =	shalt  }
0x51: {  	_ =	shalt  }
0x52: {  	_ =	shalt  }
0x53: {  	_ =	shalt  }
0x54: {  	_ =	shalt  }
0x55: {  	_ =	shalt  }
0x56: {  	_ =	shalt  }
0x57: {  	_ =	shalt  }
0x58: {  	_ =	shalt  }
0x59: {  	_ =	shalt  }
0x5a: {  	_ =	shalt  }
0x5b: {  	_ =	shalt  }
0x5c: {  	_ =	shalt  }
0x5d: {  	_ =	shalt  }
0x5e: {  	_ =	shalt  }
0x5f: {  	_ =	shalt  }
0x60: {  	_ =	shalt  }
0x61: {  	_ =	shalt  }
0x62: {  	_ =	shalt  }
0x63: {  	_ =	shalt  }
0x64: {  	_ =	shalt  }
0x65: {  	_ =	shalt  }
0x66: {  	_ =	shalt  }
0x67: {  	_ =	shalt  }
0x68: {  	_ =	shalt  }
0x69: {  	_ =	shalt  }
0x6a: {  	_ =	shalt  }
0x6b: {  	_ =	shalt  }
0x6c: {  	_ =	shalt  }
0x6d: {  	_ =	shalt  }
0x6e: {  	_ =	shalt  }
0x6f: {  	_ =	shalt  }
0x70: {  	_ =	shalt  }
0x71: {  	_ =	shalt  }
0x72: {  	_ =	shalt  }
0x73: {  	_ =	shalt  }
0x74: {  	_ =	shalt  }
0x75: {  	_ =	shalt  }
0x76: {  	_ =	shalt  }
0x77: {  	_ =	shalt  }
0x78: {  	_ =	shalt  }
0x79: {  	_ =	shalt  }
0x7a: {  	_ =	shalt  }
0x7b: {  	_ =	shalt  }
0x7c: {  	_ =	shalt  }
0x7d: {  	_ =	shalt  }
0x7e: {  	_ =	shalt  }
0x7f: {  	_ =	shalt  }
0x80: {  	_ =	shalt  }
0x81: {  	_ =	shalt  }
0x82: {  	_ =	shalt  }
0x83: {  	_ =	shalt  }
0x84: {  	_ =	shalt  }
0x85: {  	_ =	shalt  }
0x86: {  	_ =	shalt  }
0x87: {  	_ =	shalt  }
.Lfunc_end0:
.L_simem_size_0:
called_computation_lowered:
.L_overlay_start_0:
0x88: {  	s2 =	sld [smem:$0x3FD9]  }
0x89: {  	s3 =	sld [smem:$0x3FFE];
	_ =	sdelay $0x1  }
0x8a: {  	s1 =	srdreg.scid  }
0x8b: {  	s0 =	sand.u32 $0x1, s1  }
0x8c: {  	s16 =	sshll.u32 s0, $0xA;
	s2 =	sadd.s32 s3, s2  }
0x8d: {  	s2 =	sadd.s32 s2, s16  }
0x8e: {  	[smem:$0x3FC5] =	sst s2  }
0x8f: {  	_ = 	snop  }
0x90: {  	(tm) =	ssettm $0x1  }
0x91: {  	s17 =	sld [smem:$0x3FFB];
	_ =	sdelay $0x3  }
0x92: {  	_ =	strace s17  }
0x93: {  	s2 =	sld [smem:$0x3FFC];
	_ =	sdelay $0x3  }
0x94: {  	_ =	strace s2  }
0x95: {  	s2 =	sld [smem:$0x3FFD];
	_ =	sdelay $0x3  }
0x96: {  	_ =	strace s2  }
0x97: {  	_ =	strace $0x8FFFFFFF  }
0x98: {  	s18 =	sld [smem:$0x3FDB];
	_ =	sdelay $0x1  }
0x99: {  	s19 =	simm.s32 $_scs_section_size  }
0x9a: {  	s4 =	simm.s32 $_size__tile_overlayer_lowered;
	s5 =	simm.s32 $_tile_overlayer_lowered  }
0x9b: {  	s22 =	simm.s32 $0x1BFF;
	s21 =	sshll.u32 s5, $0x1;
	s2 =	sadd.s32 s19, s18  }
0x9c: {  	s6 =	simm.s32 $0x0;
	s20 =	sshll.u32 s4, $0x1;
	s4 =	sadd.s32 s21, s2  }
0x9d: {  	[timem:s6], [sflag:s22] =	dma.local [hbm:s4], s20  }
0x9e: {  	_ =	swait.ge [sflag:s22], s20  }
0x9f: {  	s3 =	ssub.s32 $0x0, s20;
	[sflag:s22] =	ssyncset.done $0x0  }
0xa0: {  	[sflag:s22] =	ssyncadd.s32 s3;
	_ =	sdelay $0x1  }
0xa1: {  	s23 =	simm.s32 $0x1B8B  }
0xa2: {  	_ =	swait.ge [sflag:s23], $0x1  }
0xa3: {  	[sflag:s23] =	ssyncset.done $0x0  }
0xa4: {  	s25 =	simm.s32 $0x1B8E;
	s24 =	sld [smem:$0x3FFE];
	[sflag:s23] =	ssyncadd.s32 $0xFFFFFFFF  }
0xa5: {  	s26 =	simm.s32 $execute0_lowered;
	[smem:$0x3FD2] =	sst s25  }
0xa6: {  	s4 =	sshll.u32 s26, $0x1;
	_ =	strace $0x80000046;
	[dreg:$0x1] =	wrdreg $0xFFFFFFFF  }
0xa7: {  	s28 =	simm.s32 $_size_execute0_lowered;
	s2 =	sadd.s32 s2, s4;
	[dreg:$0x0] =	wrdreg $0x0  }
0xa8: {  	s4 =	sshll.u32 s28, $0x1;
	[dreg:$0x2] =	wrdreg s2  }
0xa9: {  	[dreg:$0x3] =	wrdreg s4  }
0xaa: {  	[dreg:$0x4] =	wrdreg $0xC0  }
0xab: {  	_ =	task [dreg:s6], $0x5FFFF  }
0xac: {  	[dreg:$0x1] =	wrdreg $0xFFFFFFFF  }
0xad: {  	[dreg:$0x0] =	wrdreg $0x60  }
0xae: {  	[dreg:$0x2] =	wrdreg s24  }
0xaf: {  	[dreg:$0x3] =	wrdreg $0x9  }
0xb0: {  	_ =	task.clear_ibuf [dreg:s6], $0x4FFFF;
	_ =	strace $0x90000046  }
0xb1: {  	s29 =	simm.s32 $0x9;
	_ =	strace $0x80000048  }
0xb2: {  	_ =	swait.ge [sflag:s29], $0x1  }
0xb3: {  	[sflag:s29] =	ssyncadd.s32 $0xFFFFFFFF  }
0xb4: {  	_ =	strace $0x90000048  }
0xb5: {  	_ =	sfence  }
0xb6: {  	s30 =	sld [smem:$0x0];
	_ =	sdelay $0x2  }
0xb7: {  	s31 =	sshll.u32 s1, $0xD;
	s1 =	sshrl.u32 s1, $0x2  }
0xb8: {  	s3 =	sand.u32 $0x4000, s31;
	s1 =	sadd.s32 s1, s30  }
0xb9: {  	s0 =	sor.u32 s3, s0;
	s1 =	sshll.u32 s1, $0x11  }
0xba: {  	s0 =	sor.u32 s1, s0  }
0xbb: {  	s0 =	sadd.s32 $0x8F2B, s0  }
0xbc: {  	[sflag:s0] =	ssyncadd.remote.s32 $0x1  }
0xbd: {  	_ =	sfence.sel $0xFFFF  }
0xbe: {  	[dreg:$0x0] =	wrdreg $0xFFFFFFFF;
	(pc) =	sbr.abs _section_cstart, $3  }
0xbf: {  	[dreg:$0x1] =	wrdreg $0xFFFFFFFF  }
0xc0: {  	_ =	task.clear_ibuf [dreg:s6], $0x2FFFF;
	_ =	strace $0x9FFFFFFF  }
0xc1: {  	(tm) =	ssettm $0x7FFFFFFF  }
tec
execute0_lowered:
.L_overlay_start_1:
0x0: {  	(tag) =	ssettag $0x1  }
0x1: {  	s1 =	srdreg.scid;
	s0 =	stileid.u32  }
0x2: {  	s4 =	rddreg [dreg:$0x0];
	s2 =	simm.s32 $0x0;
	s8 =	simm.s32 $0x80  }
0x3: {  	s9 =	simm.s32 $0x1;
	s3 =	sand.u32 $0x1, s1;
	s31 =	sshll.u32 s0, $0x1  }
0x4: {  	s10 =	simm.s32 $0x6D00;
	s11 =	simm.s32 $0x0;
	s5 =	sor.u32 s3, s31  }
0x5: {  	[smem:$0x7FF] =	sst s2;
	s6 =	ssub.s32 $0x2, s3;
	s5 =	smul.u32 $0x190, s5  }
0x6: {  	v0 =	vlaneseq.u32;
	s1 =	rddreg [dreg:$0x1];
	_ =	strace $0x80000047;
	s7 =	sshrl.u32 s6, $0x1  }
0x7: {  	v2 =	vimm.f32 $0.0e+00;
	v3 =	vadd.s32 $0x21, v0;
	s6 =	ssub.s32 s6, s7;
	s7 =	simm.s32 $0x2;
	s3 =	sadd.s32 s4, s5  }
0x8: {  	v1 =	vadd.s32 $0x1, v0;
	v4 =	vadd.s32 $0x41, v0;
	v5 =	vadd.s32 $0x61, v0;
	s4 =	sadd.s32 $0x3D4200, s4;
	s6 =	smax.u32 s6, $0x1;
	s5 =	sadd.s32 $0x186C00, s3  }
.LBB2_1:
0x9: {  	[tilespmem:s2], [sflag:$0x2] =	stream.linear.gather [hbm4b:s5+s2], $0xC88, $0x38;
	[tilespmem:$0x7980] =	vst v63  }
0xa: {  	_ =	swait.ge [sflag:s7], $0xC88  }
0xb: {  	[sflag:s7] =	ssyncset.done $0x0  }
0xc: {  	s12 =	simm.s32 $0x70;
	s13 =	simm.s32 $0x0;
	[sflag:s7] =	ssyncadd.s32 $0xFFFFF378  }
.LBB2_2:
0xd: {  	s14 =	sadd.s32 $0xFFFFFF90, s12  }
0xe: {  	v6 =	vor.u32 s14, v1  }
0xf: {  	v7 =	vor.u32 s14, v0;
	_ =	sdelay $0x3  }
0x10: {  	v6 =	vld.idx.msk [tilespmem:v6+s2+$0x0], $0xffff  }
0x11: {  	v7 =	vld.idx.msk [tilespmem:v7+s2+$0x0], $0xffff;
	_ =	sdelay $0x2  }
0x12: {  	s15 =	sadd.s32 $0xFFFFFFA0, s12  }
0x13: {  	v10 =	vadd.s32 s15, v1;
	vm10 =	vgt.s32 v6, $0x0  }
0x14: {  	s23 =	sshra.s32 s13, $0x2;
	v8 =	vadd.s32 $0xFFFFFFFF, v6;
	vm11 =	vgt.s32 v7, $0x0;
	v30 =	vsel vm10, $0x3F800000, v2  }
0x15: {  	v9 =	vadd.s32 $0xFFFFFFFF, v7;
	vm0 =	vgt.s32 v8, $0x0;
	v7 =	vsel vm11, $0x3F800000, v2;
	[tilespmem:s23+$0x2D00] =	vst v30  }
0x16: {  	v6 =	vor.u32 s15, v0;
	vm9 =	vgt.s32 v9, $0x0;
	v8 =	vnsel vm0, $0x0, v8;
	[tilespmem:s23+$0x3D00] =	vst v7  }
0x17: {  	v29 =	vnsel vm9, $0x0, v9;
	[tilespmem:s23+$0xD00] =	vst v8  }
0x18: {  	[tilespmem:s23+$0x1D00] =	vst v29  }
0x19: {  	v7 =	vld.idx.msk [tilespmem:v10+s2+$0x0], $0xffff;
	_ =	sdelay $0x1  }
0x1a: {  	v6 =	vld.idx.msk [tilespmem:v6+s2+$0x0], $0xffff;
	_ =	sdelay $0x1  }
0x1b: {  	s24 =	sadd.s32 $0xFFFFFFB0, s12  }
0x1c: {  	v33 =	vor.u32 s24, v3;
	v31 =	vadd.s32 $0xFFFFFFFF, v7;
	vm14 =	vgt.s32 v7, $0x0  }
0x1d: {  	v7 =	vor.u32 s24, v0;
	vm12 =	vgt.s32 v31, $0x0;
	v35 =	vsel vm14, $0x3F800000, v2  }
0x1e: {  	v32 =	vadd.s32 $0xFFFFFFFF, v6;
	vm15 =	vgt.s32 v6, $0x0;
	v8 =	vnsel vm12, $0x0, v31;
	[tilespmem:s23+$0x2D10] =	vst v35  }
0x1f: {  	vm13 =	vgt.s32 v32, $0x0;
	v6 =	vsel vm15, $0x3F800000, v2;
	[tilespmem:s23+$0xD10] =	vst v8  }
0x20: {  	v34 =	vnsel vm13, $0x0, v32;
	[tilespmem:s23+$0x3D10] =	vst v6  }
0x21: {  	[tilespmem:s23+$0x1D10] =	vst v34  }
0x22: {  	v6 =	vld.idx.msk [tilespmem:v33+s2+$0x0], $0xffff  }
0x23: {  	v7 =	vld.idx.msk [tilespmem:v7+s2+$0x0], $0xffff;
	_ =	sdelay $0x2  }
0x24: {  	s25 =	sadd.s32 $0xFFFFFFC0, s12  }
0x25: {  	v38 =	vadd.s32 s25, v1;
	vm6 =	vgt.s32 v6, $0x0  }
0x26: {  	v36 =	vadd.s32 $0xFFFFFFFF, v6;
	vm7 =	vgt.s32 v7, $0x0;
	v40 =	vsel vm6, $0x3F800000, v2  }
0x27: {  	v37 =	vadd.s32 $0xFFFFFFFF, v7;
	vm4 =	vgt.s32 v36, $0x0;
	v7 =	vsel vm7, $0x3F800000, v2;
	[tilespmem:s23+$0x2D20] =	vst v40  }
0x28: {  	v6 =	vor.u32 s25, v0;
	vm5 =	vgt.s32 v37, $0x0;
	v8 =	vnsel vm4, $0x0, v36;
	[tilespmem:s23+$0x3D20] =	vst v7  }
0x29: {  	v39 =	vnsel vm5, $0x0, v37;
	[tilespmem:s23+$0xD20] =	vst v8  }
0x2a: {  	[tilespmem:s23+$0x1D20] =	vst v39  }
0x2b: {  	v7 =	vld.idx.msk [tilespmem:v38+s2+$0x0], $0xffff;
	_ =	sdelay $0x1  }
0x2c: {  	v6 =	vld.idx.msk [tilespmem:v6+s2+$0x0], $0xffff;
	_ =	sdelay $0x1  }
0x2d: {  	s26 =	sadd.s32 $0xFFFFFFD0, s12  }
0x2e: {  	v43 =	vor.u32 s26, v4;
	v41 =	vadd.s32 $0xFFFFFFFF, v7;
	vm10 =	vgt.s32 v7, $0x0  }
0x2f: {  	v7 =	vor.u32 s26, v0;
	vm8 =	vgt.s32 v41, $0x0;
	v45 =	vsel vm10, $0x3F800000, v2  }
0x30: {  	v42 =	vadd.s32 $0xFFFFFFFF, v6;
	vm11 =	vgt.s32 v6, $0x0;
	v8 =	vnsel vm8, $0x0, v41;
	[tilespmem:s23+$0x2D30] =	vst v45  }
0x31: {  	vm9 =	vgt.s32 v42, $0x0;
	v6 =	vsel vm11, $0x3F800000, v2;
	[tilespmem:s23+$0xD30] =	vst v8  }
0x32: {  	v44 =	vnsel vm9, $0x0, v42;
	[tilespmem:s23+$0x3D30] =	vst v6  }
0x33: {  	[tilespmem:s23+$0x1D30] =	vst v44  }
0x34: {  	v6 =	vld.idx.msk [tilespmem:v43+s2+$0x0], $0xffff  }
0x35: {  	v7 =	vld.idx.msk [tilespmem:v7+s2+$0x0], $0xffff;
	_ =	sdelay $0x2  }
0x36: {  	s28 =	sadd.s32 $0xFFFFFFE0, s12  }
0x37: {  	v48 =	vadd.s32 s28, v1;
	vm14 =	vgt.s32 v6, $0x0  }
0x38: {  	v46 =	vadd.s32 $0xFFFFFFFF, v6;
	vm15 =	vgt.s32 v7, $0x0;
	v50 =	vsel vm14, $0x3F800000, v2  }
0x39: {  	v47 =	vadd.s32 $0xFFFFFFFF, v7;
	vm12 =	vgt.s32 v46, $0x0;
	v7 =	vsel vm15, $0x3F800000, v2;
	[tilespmem:s23+$0x2D40] =	vst v50  }
0x3a: {  	v6 =	vor.u32 s28, v0;
	vm13 =	vgt.s32 v47, $0x0;
	v8 =	vnsel vm12, $0x0, v46;
	[tilespmem:s23+$0x3D40] =	vst v7  }
0x3b: {  	v49 =	vnsel vm13, $0x0, v47;
	[tilespmem:s23+$0xD40] =	vst v8  }
0x3c: {  	[tilespmem:s23+$0x1D40] =	vst v49  }
0x3d: {  	v7 =	vld.idx.msk [tilespmem:v48+s2+$0x0], $0xffff;
	_ =	sdelay $0x1  }
0x3e: {  	v6 =	vld.idx.msk [tilespmem:v6+s2+$0x0], $0xffff;
	_ =	sdelay $0x1  }
0x3f: {  	s29 =	sadd.s32 $0xFFFFFFF0, s12  }
0x40: {  	v53 =	vor.u32 s29, v5;
	v51 =	vadd.s32 $0xFFFFFFFF, v7;
	vm6 =	vgt.s32 v7, $0x0  }
0x41: {  	v7 =	vor.u32 s29, v0;
	vm4 =	vgt.s32 v51, $0x0;
	v55 =	vsel vm6, $0x3F800000, v2  }
0x42: {  	v52 =	vadd.s32 $0xFFFFFFFF, v6;
	vm7 =	vgt.s32 v6, $0x0;
	v8 =	vnsel vm4, $0x0, v51;
	[tilespmem:s23+$0x2D50] =	vst v55  }
0x43: {  	vm5 =	vgt.s32 v52, $0x0;
	v6 =	vsel vm7, $0x3F800000, v2;
	[tilespmem:s23+$0xD50] =	vst v8  }
0x44: {  	v54 =	vnsel vm5, $0x0, v52;
	[tilespmem:s23+$0x3D50] =	vst v6  }
0x45: {  	[tilespmem:s23+$0x1D50] =	vst v54  }
0x46: {  	v6 =	vld.idx.msk [tilespmem:v53+s2+$0x0], $0xffff  }
0x47: {  	v7 =	vld.idx.msk [tilespmem:v7+s2+$0x0], $0xffff;
	_ =	sdelay $0x3  }
0x48: {  	v58 =	vadd.s32 s12, v1;
	vm10 =	vgt.s32 v6, $0x0  }
0x49: {  	v56 =	vadd.s32 $0xFFFFFFFF, v6;
	vm11 =	vgt.s32 v7, $0x0;
	v60 =	vsel vm10, $0x3F800000, v2  }
0x4a: {  	v57 =	vadd.s32 $0xFFFFFFFF, v7;
	vm8 =	vgt.s32 v56, $0x0;
	v7 =	vsel vm11, $0x3F800000, v2;
	[tilespmem:s23+$0x2D60] =	vst v60  }
0x4b: {  	v6 =	vor.u32 s12, v0;
	vm9 =	vgt.s32 v57, $0x0;
	v8 =	vnsel vm8, $0x0, v56;
	[tilespmem:s23+$0x3D60] =	vst v7  }
0x4c: {  	v59 =	vnsel vm9, $0x0, v57;
	[tilespmem:s23+$0xD60] =	vst v8  }
0x4d: {  	[tilespmem:s23+$0x1D60] =	vst v59  }
0x4e: {  	v7 =	vld.idx.msk [tilespmem:v58+s2+$0x0], $0xffff;
	_ =	sdelay $0x1  }
0x4f: {  	v6 =	vld.idx.msk [tilespmem:v6+s2+$0x0], $0xffff;
	_ =	sdelay $0x2  }
0x50: {  	v61 =	vadd.s32 $0xFFFFFFFF, v7;
	vm14 =	vgt.s32 v7, $0x0  }
0x51: {  	vm12 =	vgt.s32 v61, $0x0;
	v7 =	vsel vm14, $0x3F800000, v2  }
0x52: {  	v62 =	vadd.s32 $0xFFFFFFFF, v6;
	vm15 =	vgt.s32 v6, $0x0;
	v8 =	vnsel vm12, $0x0, v61;
	[tilespmem:s23+$0x2D70] =	vst v7  }
0x53: {  	p0 =	sne.s32 s12, $0xC70;
	vm13 =	vgt.s32 v62, $0x0;
	v6 =	vsel vm15, $0x3F800000, v2;
	[tilespmem:s23+$0xD70] =	vst v8  }
.Ltmp0:
0x54: {  	v63 =	vnsel vm13, $0x0, v62;
	[tilespmem:s23+$0x3D70] =	vst v6;
	(pc) =	sbr.rel @p0 .LBB2_2-.Ltmp0, $4  }
0x55: {  	s13 =	sadd.s32 $0x200, s13;
	s30 =	sadd.s32 $0xD00, s23;
	s16 =	sadd.s32 $0x4D00, s23;
	[tilespmem:s23+$0x1D70] =	vst v63  }
0x56: {  	[tilespmem:s16], [sflag:$0x1] =	stream.indirect.gather [hbm4b:s4+s8], $0x1, s30, s8, $0xb8;
	[tilespmem:$0x7980] =	vst v63  }
0x57: {  	s31 =	sadd.s32 $0x1D00, s23;
	s14 =	sadd.s32 $0x5D00, s23;
	s12 =	sadd.s32 $0x80, s12  }
0x58: {  	[tilespmem:s14], [sflag:$0x1] =	stream.indirect.gather [hbm4b:s4+s8], $0x1, s31, s8, $0xb8;
	[tilespmem:$0x7980] =	vst v63  }
0x59: {  	_ =	swait.ge [sflag:s9], $0x80  }
0x5a: {  	[sflag:s9] =	ssyncset.done $0x0  }
0x5b: {  	[sflag:s9] =	ssyncadd.s32 $0xFFFFFF80  }
0x5c: {  	_ =	swait.ge [sflag:s9], $0x80  }
0x5d: {  	s12 =	simm.s32 $0x18;
	[sflag:s9] =	ssyncset.done $0x0  }
.LBB2_4:
0x5e: {  	p0 =	sne.s32 s12, $0x1;
	s12 =	sadd.s32 $0xFFFFFFFF, s12;
	[sflag:s9] =	ssyncadd.s32 $0xFFFFFF80  }
.Ltmp1:
0x5f: {  	_ =	swait.ge [sflag:s9], $0x80;
	(pc) =	sbr.rel @p0 .LBB2_4-.Ltmp1, $4  }
0x60: {  	[sflag:s9] =	ssyncset.done $0x0  }
0x61: {  	[sflag:s9] =	ssyncadd.s32 $0xFFFFFF80  }
0x62: {  	_ =	swait.ge [sflag:s9], $0x80  }
0x63: {  	[sflag:s9] =	ssyncset.done $0x0  }
0x64: {  	[sflag:s9] =	ssyncadd.s32 $0xFFFFFF80;
	s12 =	simm.s32 $0x0  }
0x65: {  	v6 =	vld [tilespmem:s12+$0x4D70]  }
0x66: {  	v7 =	vld [tilespmem:s12+$0x2D70]  }
0x67: {  	v8 =	vld [tilespmem:s12+$0x5D70]  }
0x68: {  	v9 =	vld [tilespmem:s12+$0x3D70]  }
0x69: {  	v10 =	vld [tilespmem:s12+$0x4D00]  }
0x6a: {  	v11 =	vld [tilespmem:s12+$0x2D00]  }
0x6b: {  	v12 =	vld [tilespmem:s12+$0x5D00]  }
0x6c: {  	v13 =	vld [tilespmem:s12+$0x3D00]  }
0x6d: {  	v14 =	vld [tilespmem:s12+$0x4D10]  }
0x6e: {  	v6 =	vmul.f32 v7, v6;
	v7 =	vmul.f32 v9, v8;
	v8 =	vld [tilespmem:s12+$0x2D10]  }
0x6f: {  	v9 =	vld [tilespmem:s12+$0x5D10]  }
0x70: {  	v6 =	vsub.f32 v6, v7;
	v7 =	vld [tilespmem:s12+$0x3D10]  }
0x71: {  	v15 =	vld [tilespmem:s12+$0x4D20];
	v10 =	vmul.f32 v11, v10;
	v11 =	vmul.f32 v13, v12  }
0x72: {  	v12 =	vld [tilespmem:s12+$0x3D20]  }
0x73: {  	v10 =	vsub.f32 v10, v11;
	v11 =	vld [tilespmem:s12+$0x5D20]  }
0x74: {  	[tilespmem:s12+$0x6D70] =	vst v6;
	v6 =	vld [tilespmem:s12+$0x2D20]  }
0x75: {  	v13 =	vld [tilespmem:s12+$0x3D30];
	v8 =	vmul.f32 v8, v14;
	v7 =	vmul.f32 v7, v9  }
0x76: {  	[tilespmem:s12+$0x6D00] =	vst v10;
	v10 =	vld [tilespmem:s12+$0x2D30]  }
0x77: {  	v9 =	vld [tilespmem:s12+$0x4D30];
	v7 =	vsub.f32 v8, v7  }
0x78: {  	v8 =	vld [tilespmem:s12+$0x5D30]  }
0x79: {  	v14 =	vld [tilespmem:s12+$0x3D40];
	v6 =	vmul.f32 v6, v15;
	[tilespmem:s12+$0x6D10] =	vst v7;
	v7 =	vmul.f32 v12, v11  }
0x7a: {  	v11 =	vld [tilespmem:s12+$0x4D40]  }
0x7b: {  	v12 =	vld [tilespmem:s12+$0x2D40];
	v6 =	vsub.f32 v6, v7  }
0x7c: {  	v7 =	vld [tilespmem:s12+$0x5D40]  }
0x7d: {  	v15 =	vld [tilespmem:s12+$0x3D50];
	v8 =	vmul.f32 v13, v8;
	[tilespmem:s12+$0x6D20] =	vst v6;
	v6 =	vmul.f32 v10, v9  }
0x7e: {  	v13 =	vld [tilespmem:s12+$0x2D50]  }
0x7f: {  	v9 =	vld [tilespmem:s12+$0x4D50];
	v6 =	vsub.f32 v6, v8  }
0x80: {  	v8 =	vld [tilespmem:s12+$0x5D50]  }
0x81: {  	v16 =	vld [tilespmem:s12+$0x4D60];
	v10 =	vmul.f32 v14, v7;
	[tilespmem:s12+$0x6D30] =	vst v6;
	v6 =	vmul.f32 v12, v11  }
0x82: {  	v11 =	vld [tilespmem:s12+$0x2D60]  }
0x83: {  	v7 =	vld [tilespmem:s12+$0x5D60];
	v12 =	vsub.f32 v6, v10  }
0x84: {  	s13 =	simm.s32 $0x80;
	v10 =	vld [tilespmem:s12+$0x3D60]  }
0x85: {  	v13 =	vmul.f32 v13, v9;
	v6 =	vld [tilespmem:s13+$0x4D70];
	[tilespmem:s12+$0x6D40] =	vst v12;
	v12 =	vmul.f32 v15, v8  }
0x86: {  	v8 =	vld [tilespmem:s13+$0x2D70]  }
0x87: {  	s14 =	simm.s32 $0x400;
	v9 =	vld [tilespmem:s13+$0x5D70];
	v11 =	vmul.f32 v11, v16;
	v12 =	vsub.f32 v13, v12  }
.LBB2_6:
0x88: {  	p0 =	sne.s32 s14, $0x3000;
	v13 =	vld [tilespmem:s13+$0x3D70]  }
0x89: {  	v14 =	vld [tilespmem:s13+$0x4D00];
	[tilespmem:s12+$0x6D50] =	vst v12;
	v7 =	vmul.f32 v10, v7  }
0x8a: {  	v10 =	vld [tilespmem:s13+$0x2D00]  }
0x8b: {  	v12 =	vld [tilespmem:s13+$0x5D00];
	v7 =	vsub.f32 v11, v7  }
0x8c: {  	v11 =	vld [tilespmem:s13+$0x3D00]  }
0x8d: {  	v6 =	vmul.f32 v8, v6;
	v15 =	vld [tilespmem:s13+$0x4D10];
	v8 =	vmul.f32 v13, v9;
	[tilespmem:s12+$0x6D60] =	vst v7;
	s12 =	smov.u32 s13  }
0x8e: {  	v7 =	vld [tilespmem:s12+$0x2D10]  }
0x8f: {  	v9 =	vmul.f32 v10, v14;
	v10 =	vld [tilespmem:s12+$0x5D10];
	v6 =	vsub.f32 v6, v8  }
0x90: {  	v8 =	vld [tilespmem:s12+$0x3D10]  }
0x91: {  	v11 =	vmul.f32 v11, v12;
	v12 =	vld [tilespmem:s12+$0x4D20];
	[tilespmem:s12+$0x6D70] =	vst v6  }
0x92: {  	v6 =	vld [tilespmem:s12+$0x2D20]  }
0x93: {  	v9 =	vsub.f32 v9, v11;
	v7 =	vmul.f32 v7, v15;
	v11 =	vld [tilespmem:s12+$0x5D20]  }
0x94: {  	v13 =	vld [tilespmem:s12+$0x3D20]  }
0x95: {  	[tilespmem:s12+$0x6D00] =	vst v9;
	v8 =	vmul.f32 v8, v10;
	v9 =	vld [tilespmem:s12+$0x4D30]  }
0x96: {  	v10 =	vld [tilespmem:s12+$0x2D30]  }
0x97: {  	v7 =	vsub.f32 v7, v8;
	v6 =	vmul.f32 v6, v12;
	v8 =	vld [tilespmem:s12+$0x5D30]  }
0x98: {  	v12 =	vld [tilespmem:s12+$0x3D30]  }
0x99: {  	[tilespmem:s12+$0x6D10] =	vst v7;
	v7 =	vmul.f32 v13, v11;
	v11 =	vld [tilespmem:s12+$0x4D40]  }
0x9a: {  	v13 =	vld [tilespmem:s12+$0x2D40]  }
0x9b: {  	v6 =	vsub.f32 v6, v7;
	v7 =	vmul.f32 v10, v9;
	v9 =	vld [tilespmem:s12+$0x5D40]  }
0x9c: {  	v10 =	vld [tilespmem:s12+$0x3D40]  }
0x9d: {  	[tilespmem:s12+$0x6D20] =	vst v6;
	v6 =	vmul.f32 v12, v8;
	v8 =	vld [tilespmem:s12+$0x4D50]  }
0x9e: {  	v12 =	vld [tilespmem:s12+$0x2D50]  }
0x9f: {  	v6 =	vsub.f32 v7, v6;
	v7 =	vmul.f32 v13, v11;
	v11 =	vld [tilespmem:s12+$0x5D50]  }
0xa0: {  	v13 =	vld [tilespmem:s12+$0x3D50]  }
0xa1: {  	[tilespmem:s12+$0x6D30] =	vst v6;
	v6 =	vmul.f32 v10, v9;
	v14 =	vld [tilespmem:s12+$0x4D60]  }
0xa2: {  	v15 =	vld [tilespmem:s12+$0x2D60]  }
.Ltmp2:
0xa3: {  	v9 =	vsub.f32 v7, v6;
	v12 =	vmul.f32 v12, v8;
	v7 =	vld [tilespmem:s12+$0x5D60];
	(pc) =	sbr.rel @p0 .LBB2_6-.Ltmp2, $4  }
0xa4: {  	s13 =	sshra.s32 s14, $0x2;
	v10 =	vld [tilespmem:s12+$0x3D60]  }
0xa5: {  	v6 =	vld [tilespmem:s13+$0x4D70];
	[tilespmem:s12+$0x6D40] =	vst v9;
	v11 =	vmul.f32 v13, v11  }
0xa6: {  	v8 =	vld [tilespmem:s13+$0x2D70]  }
0xa7: {  	s14 =	sadd.s32 $0x200, s14;
	v9 =	vld [tilespmem:s13+$0x5D70];
	v12 =	vsub.f32 v12, v11;
	v11 =	vmul.f32 v15, v14  }
0xa8: {  	v13 =	vld [tilespmem:s13+$0x3D70]  }
0xa9: {  	v14 =	vld [tilespmem:s13+$0x4D00];
	[tilespmem:s12+$0x6D50] =	vst v12;
	v7 =	vmul.f32 v10, v7  }
0xaa: {  	v44 =	vld [tilespmem:s13+$0x2D00]  }
0xab: {  	v12 =	vld [tilespmem:s13+$0x5D00];
	v7 =	vsub.f32 v11, v7  }
0xac: {  	v45 =	vld [tilespmem:s13+$0x3D00]  }
0xad: {  	v15 =	vld [tilespmem:s13+$0x4D10];
	[tilespmem:s12+$0x6D60] =	vst v7  }
0xae: {  	v46 =	vld [tilespmem:s13+$0x2D10]  }
0xaf: {  	v47 =	vld [tilespmem:s13+$0x5D10]  }
0xb0: {  	v48 =	vld [tilespmem:s13+$0x4D20]  }
0xb1: {  	v6 =	vmul.f32 v8, v6;
	v7 =	vmul.f32 v13, v9;
	v49 =	vld [tilespmem:s13+$0x5D20]  }
0xb2: {  	v50 =	vld [tilespmem:s13+$0x3D20]  }
0xb3: {  	v6 =	vsub.f32 v6, v7;
	v7 =	vld [tilespmem:s13+$0x3D10]  }
0xb4: {  	v51 =	vld [tilespmem:s13+$0x4D30]  }
0xb5: {  	v52 =	vld [tilespmem:s13+$0x2D30]  }
0xb6: {  	v53 =	vld [tilespmem:s13+$0x5D30]  }
0xb7: {  	[tilespmem:s13+$0x6D70] =	vst v6;
	v6 =	vld [tilespmem:s13+$0x2D20]  }
0xb8: {  	v54 =	vld [tilespmem:s13+$0x3D30];
	v8 =	vmul.f32 v46, v15;
	v7 =	vmul.f32 v7, v47  }
0xb9: {  	v55 =	vld [tilespmem:s13+$0x4D40]  }
0xba: {  	v56 =	vld [tilespmem:s13+$0x2D40];
	v7 =	vsub.f32 v8, v7  }
0xbb: {  	v57 =	vld [tilespmem:s13+$0x3D40]  }
0xbc: {  	v58 =	vld [tilespmem:s13+$0x4D50];
	v6 =	vmul.f32 v6, v48;
	[tilespmem:s13+$0x6D10] =	vst v7;
	v7 =	vmul.f32 v50, v49  }
0xbd: {  	v59 =	vld [tilespmem:s13+$0x2D50]  }
0xbe: {  	v60 =	vld [tilespmem:s13+$0x5D50];
	v6 =	vsub.f32 v6, v7  }
0xbf: {  	v61 =	vld [tilespmem:s13+$0x3D50]  }
0xc0: {  	v62 =	vld [tilespmem:s13+$0x2D60];
	v8 =	vmul.f32 v54, v53;
	[tilespmem:s13+$0x6D20] =	vst v6;
	v6 =	vmul.f32 v52, v51  }
0xc1: {  	v16 =	vld [tilespmem:s13+$0x5D60]  }
0xc2: {  	v17 =	vld [tilespmem:s13+$0x3D60];
	v6 =	vsub.f32 v6, v8  }
0xc3: {  	v7 =	vld [tilespmem:s13+$0x5D40]  }
0xc4: {  	[tilespmem:s13+$0x6D30] =	vst v6;
	v6 =	vld [tilespmem:s13+$0x4D60];
	_ =	sdelay $0x1  }
0xc5: {  	v10 =	vmul.f32 v44, v14;
	v11 =	vmul.f32 v45, v12  }
0xc6: {  	v9 =	vmul.f32 v59, v58;
	v8 =	vmul.f32 v61, v60  }
0xc7: {  	v10 =	vsub.f32 v10, v11;
	v11 =	vmul.f32 v56, v55;
	v7 =	vmul.f32 v57, v7  }
0xc8: {  	v63 =	vmul.f32 v17, v16;
	v8 =	vsub.f32 v9, v8;
	v6 =	vmul.f32 v62, v6  }
0xc9: {  	[tilespmem:s13+$0x6D00] =	vst v10;
	v7 =	vsub.f32 v11, v7  }
0xca: {  	s11 =	sadd.s32 $0x1, s11;
	[tilespmem:s13+$0x6D50] =	vst v8;
	v6 =	vsub.f32 v6, v63  }
0xcb: {  	p0 =	sne.s32 s11, s6;
	[tilespmem:s13+$0x6D40] =	vst v7  }
.Ltmp3:
0xcc: {  	[tilespmem:s13+$0x6D60] =	vst v6;
	(pc) =	sbr.rel @p0 .LBB2_1-.Ltmp3, $4  }
0xcd: {  	[hbm4b:s3+s2] =	stream.linear.scatter [tilespmem:s10], [sflag:$0x2], $0xC80, $0x38;
	[tilespmem:$0x7980] =	vst v63  }
0xce: {  	_ =	swait.ge [sflag:s7], $0xC80  }
0xcf: {  	[sflag:s7] =	ssyncset.done $0x0  }
0xd0: {  	[sflag:s7] =	ssyncadd.s32 $0xFFFFF380  }
0xd1: {  	_ =	sfence.sel $0x180000  }
0xd2: {  	[bflag:$0x0] =	sbarrier.arrive $0xFFFF  }
0xd3: {  	p0 =	sne.s32 s0, $0x0;
	_ =	strace $0x90000047  }
0xd4: {  	s0 =	sadd.s32 @!p0 $0x100000, s1;
	[bflag:$0x2] =	sbarrier.arrive $0xFFFF  }
0xd5: {  	[sflag:s0] =	ssyncadd.tile.s32 @!p0 $0x1;
	_ =	shalt  }
.Lfunc_end2:
_tile_overlayer_lowered:
.L_overlay_start_2:
0xd6: {  	(tag) =	ssettag $0x2  }
0xd7: {  	s0 =	rddreg [dreg:$0x0];
	s2 =	stileid.u32  }
0xd8: {  	s1 =	rddreg [dreg:$0x1];
	p0 =	sne.s32 s2, $0x0  }
0xd9: {  	s3 =	rddreg [dreg:$0x2];
	[bflag:$0x3] =	sbarrier.arrive $0xFFFF;
	s2 =	simm.s32 @!p0 $0x1C02  }
0xda: {  	[timem:s3], [sflag:s2] =	dma.local @!p0 [hbm:s0], s1  }
0xdb: {  	s0 =	simm.s32 @!p0 $0x2  }
0xdc: {  	_ =	swait.ge @!p0 [sflag:s0], s1  }
0xdd: {  	s1 =	ssub.s32 @!p0 $0x0, s1;
	[sflag:s0] =	ssyncset.done @!p0 $0x0  }
0xde: {  	[sflag:s0] =	ssyncadd.s32 @!p0 s1  }
0xdf: {  	[bflag:$0x3] =	sbarrier.arrive $0xFFFF  }
0xe0: {  	_ =	shalt  }

</sc_bundles>
